<compile_context>
chip_gen: v7x
topology: tpu7x:2x2x1
jax: 0.10.2.dev20260603
libtpu: 0.0.44.dev20260713+nightly
codegen_flags: <defaults>
</compile_context>

<pallas_src>
import functools
import math

import jax
import jax.numpy as jnp
from jax import lax
from jax.experimental import pallas as pl
from jax.experimental.pallas import tpu as pltpu
from jax.experimental.pallas import tpu_sc as plsc

D_MODEL = 64
SCALE = math.sqrt(D_MODEL)



def _tc_pack(tableT):
    Dm, V = tableT.shape
    W = 8192
    grid = (V + W - 1) // W

    def body(x_ref, o_ref):
        for k in range(W // 512):
            t = x_ref[:, 512 * k:512 * (k + 1)].T * SCALE
            o_ref[256 * k:256 * (k + 1), :] = jnp.concatenate(
                [t[0:256], t[256:512]], axis=1)

    return pl.pallas_call(
        body,
        grid=(grid,),
        in_specs=[pl.BlockSpec((Dm, W), lambda j: (0, j))],
        out_specs=pl.BlockSpec((W // 2, 128), lambda j: (j, 0)),
        out_shape=jax.ShapeDtypeStruct((grid * W // 2, 128), jnp.float32),
    )(tableT)



def _build(B, H):
    NW = 32
    assert B == 128 * NW and H % 2 == 0
    mesh = plsc.VectorSubcoreMesh(core_axis_name="c", subcore_axis_name="s")

    @functools.partial(
        pl.kernel,
        mesh=mesh,
        out_type=jax.ShapeDtypeStruct((H * 8, NW, 8 * 128), jnp.float32),
        compiler_params=pltpu.CompilerParams(
            use_tc_tiling_on_sc=False, needs_layout_passes=False,
            disable_bounds_checks=True),
        scratch_types=[
            pltpu.VMEM((H, 128), jnp.int32),
            pltpu.VMEM((2, 128, D_MODEL), jnp.float32),
            pltpu.VMEM((2, 8, 1, 8 * 128), jnp.float32),
            pltpu.SemaphoreType.DMA,
            pltpu.SemaphoreType.DMA,
            pltpu.SemaphoreType.DMA,
            pltpu.SemaphoreType.DMA,
        ],
    )
    def emb(x4_hbm, tab_hbm, out_hbm, idx_v, rows_v, outb_v,
            sem0, sem1, osem0, osem1):
        cid = lax.axis_index("c")
        sid = lax.axis_index("s")
        wid = sid * 2 + cid
        iota = lax.iota(jnp.int32, 16)

        pltpu.sync_copy(x4_hbm.at[pl.ds(pl.multiple_of(wid * H, 8), H)],
                        idx_v)

        def prep_r(r, c):
            def prep_q(q, c2):
                v = idx_v[r, pl.ds(16 * q, 16)]
                idx_v[r, pl.ds(16 * q, 16)] = (
                    (v & -512) + ((v & 255) << 1) + ((v >> 8) & 1))
                return c2
            return lax.fori_loop(0, 8, prep_q, c)

        lax.fori_loop(0, H, prep_r, 0)

        def out_dst(h):
            return out_hbm.at[pl.ds(pl.multiple_of(8 * h, 8), 8),
                              pl.ds(wid, 1), pl.ds(0, 8 * 128)]

        def gather(h, buf, sem):
            return pltpu.async_copy(
                tab_hbm.at[idx_v.at[h]], rows_v.at[buf], sem)

        def gather_wait(buf, sem):
            pltpu.make_async_copy(
                tab_hbm.at[idx_v.at[0]], rows_v.at[buf], sem).wait()

        def compute(h, buf, osem, first):
            @pl.when(jnp.logical_not(first))
            def _():
                pltpu.make_async_copy(
                    out_dst(0), outb_v.at[buf], osem).wait()
            rows = rows_v.at[buf]
            outb = outb_v.at[buf]
            brows = [16 * q + iota for q in range(8)]

            @plsc.parallel_loop(0, D_MODEL, unroll=8)
            def d_body(d):
                i2 = d >> 3
                base = (d & 7) * 128
                dv = jnp.broadcast_to(d, (16,))
                for q in range(8):
                    outb[i2, 0, pl.ds(base + 16 * q, 16)] = (
                        plsc.load_gather(rows, [brows[q], dv]))

            pltpu.async_copy(outb, out_dst(h), osem)

        gather(0, 0, sem0)

        def pair(t, c):
            h0 = 2 * t
            gather(h0 + 1, 1, sem1)
            gather_wait(0, sem0)
            compute(h0, 0, osem0, t == 0)

            @pl.when(t < H // 2 - 1)
            def _():
                gather(h0 + 2, 0, sem0)
            gather_wait(1, sem1)
            compute(h0 + 1, 1, osem1, t == 0)
            return c

        lax.fori_loop(0, H // 2, pair, 0)
        for buf, osem in ((0, osem0), (1, osem1)):
            pltpu.make_async_copy(out_dst(0), outb_v.at[buf], osem).wait()

    return emb


def kernel(x, table):
    B, H = x.shape
    NW = B // 128
    tabP = _tc_pack(table.T)
    tabL = tabP.reshape(2 * tabP.shape[0], D_MODEL)
    x4 = x.T.reshape(H, NW, 128).transpose(1, 0, 2).reshape(NW * H, 128)
    out3 = _build(B, H)(x4, tabL)
    out5 = out3.reshape(H, 8, NW, 8, 128)
    return out5.transpose(2, 4, 0, 1, 3).reshape(B, H, D_MODEL)

# --- scband reference (transcript-rebuilt; emitter-appended) ---
"""Pipeline reference for scband-embedding-59846074302656 (READ-ONLY COPY).

The authoritative reference and input builder live on the scoring server;
editing this copy changes nothing except your own understanding.
"""

import jax, jax.numpy as jnp
import numpy as np
import math

VOCAB = 1000000
D_MODEL = 64
BATCH = 4096
HIST = 200

def setup_inputs(seed: int = 0) -> dict:
    key = jax.random.key(seed)
    k_idx, k_tab = jax.random.split(key)
    x = jax.random.randint(k_idx, (BATCH, HIST), 0, VOCAB, dtype=jnp.int64 if jax.config.jax_enable_x64 else jnp.int32)
    table = jax.random.normal(k_tab, (VOCAB, D_MODEL), dtype=jnp.float32)
    return {"x": x, "table": table}

def reference(x, table):
    # emb(x) * sqrt(d_model)
    out = jnp.take(table, x, axis=0)
    return out * math.sqrt(D_MODEL)

if __name__ == "__main__":
    import jax
    _d = setup_inputs()
    print(jax.jit(kernel)(*tuple(_d.values())))

</pallas_src>

<mosaic_0001>
#map = affine_map<(d0, d1) -> (0, 0)>
#map1 = affine_map<(d0, d1) -> (0, 0, 0)>
module attributes {stable_mosaic.version = 14 : i64} {
  func.func @emb(%arg0: i32, %arg1: i32, %arg2: memref<6400x128xi32, #tpu.memory_space<hbm>>, %arg3: memref<1007616x64xf32, #tpu.memory_space<hbm>>, %arg4: memref<1600x32x1024xf32, #tpu.memory_space<hbm>>, %arg5: memref<200x128xi32, #tpu.memory_space<vmem>>, %arg6: memref<2x128x64xf32, #tpu.memory_space<vmem>>, %arg7: memref<2x8x1x1024xf32, #tpu.memory_space<vmem>>, %arg8: memref<!tpu.dma_semaphore, #tpu.memory_space<semaphore_mem>>, %arg9: memref<!tpu.dma_semaphore, #tpu.memory_space<semaphore_mem>>, %arg10: memref<!tpu.dma_semaphore, #tpu.memory_space<semaphore_mem>>, %arg11: memref<!tpu.dma_semaphore, #tpu.memory_space<semaphore_mem>>) attributes {dimension_semantics = [#tpu.dimension_semantics<core_parallel>, #tpu.dimension_semantics<subcore_parallel>], iteration_bounds = array<i64: 2, 16>, scalar_prefetch = 0 : i64, scratch_operands = 7 : i64, tpu.core_type = #tpu.core_type<sc_vector_subcore>, window_params = [{transform_indices = #map}, {transform_indices = #map}, {transform_indices = #map1}]} {
    %mul3A = arith.constant 2 : i32
    %mul3A_0 = arith.muli %arg1, %mul3A : i32
    %add3A = arith.addi %mul3A_0, %arg0 : i32
    %iota3A = tpu.iota {dimensions = array<i32: 0>} : vector<16xi32>
    %mul3A_1 = arith.constant 200 : i32
    %mul3A_2 = arith.muli %add3A, %mul3A_1 : i32
    %multiple_of3A = tpu.assume_multiple %mul3A_2, 8 : i32
    "tpu.region"() ({
      %run_scoped3A = tpu.sem_alloc : memref<!tpu.dma_semaphore, #tpu.memory_space<semaphore_mem>>
      %dma_start3A_58 = arith.constant 0 : i32
      %dma_start3A_59 = tpu.memref_slice %arg2[%multiple_of3A, %dma_start3A_58] : memref<6400x128xi32, #tpu.memory_space<hbm>> -> memref<200x128xi32, #tpu.memory_space<hbm>>
      %dma_start3A_60 = arith.constant 0 : i32
      %dma_start3A_61 = tpu.memref_slice %arg2[%multiple_of3A, %dma_start3A_60] : memref<6400x128xi32, #tpu.memory_space<hbm>> -> memref<200x128xi32, #tpu.memory_space<hbm>>
      tpu.enqueue_dma source(%dma_start3A_61 : memref<200x128xi32, #tpu.memory_space<hbm>>) target(%arg5 : memref<200x128xi32, #tpu.memory_space<vmem>>) target_semaphore(%run_scoped3A : memref<!tpu.dma_semaphore, #tpu.memory_space<semaphore_mem>>)
      %dma_wait3A_62 = arith.constant 0 : i32
      %dma_wait3A_63 = tpu.memref_slice %arg2[%multiple_of3A, %dma_wait3A_62] : memref<6400x128xi32, #tpu.memory_space<hbm>> -> memref<200x128xi32, #tpu.memory_space<hbm>>
      %dma_wait3A_64 = arith.constant 0 : i32
      %dma_wait3A_65 = tpu.memref_slice %arg2[%multiple_of3A, %dma_wait3A_64] : memref<6400x128xi32, #tpu.memory_space<hbm>> -> memref<200x128xi32, #tpu.memory_space<hbm>>
      tpu.wait_dma2 semaphore(%run_scoped3A : memref<!tpu.dma_semaphore, #tpu.memory_space<semaphore_mem>>) src(%dma_wait3A_65 : memref<200x128xi32, #tpu.memory_space<hbm>>) dst(%arg5 : memref<200x128xi32, #tpu.memory_space<vmem>>)
      tpu.yield
    }) : () -> ()
    %scan3A = arith.constant 0 : i32
    %scan3A_3 = arith.constant 0 : i32
    %scan3A_4 = arith.constant 200 : i32
    %scan3A_5 = arith.addi %scan3A_3, %scan3A_4 : i32
    %scan3A_6 = arith.constant 1 : i32
    scf.for %scan3A_58 = %scan3A_3 to %scan3A_5 step %scan3A_6  : i32 {
      %scan3A_59 = arith.constant 0 : i32
      %scan3A_60 = arith.constant 8 : i32
      %scan3A_61 = arith.addi %scan3A_59, %scan3A_60 : i32
      %scan3A_62 = arith.constant 1 : i32
      scf.for %scan3A_64 = %scan3A_59 to %scan3A_61 step %scan3A_62  : i32 {
        %mul3A_65 = arith.constant 16 : i32
        %mul3A_66 = arith.muli %mul3A_65, %scan3A_64 : i32
        %get3A = arith.index_cast %scan3A_58 : i32 to index
        %get3A_67 = arith.index_cast %mul3A_66 : i32 to index
        %get3A_68 = tpu.vector_load %arg5[%get3A, %get3A_67] {strides = array<i32>} : memref<200x128xi32, #tpu.memory_space<vmem>>, vector<16xi32>,
        %and3A = arith.constant -512 : i32
        %and3A_69 = vector.broadcast %and3A : i32 to vector<16xi32>
        %and3A_70 = arith.andi %get3A_68, %and3A_69 : vector<16xi32>
        %and3A_71 = arith.constant 255 : i32
        %and3A_72 = vector.broadcast %and3A_71 : i32 to vector<16xi32>
        %and3A_73 = arith.andi %get3A_68, %and3A_72 : vector<16xi32>
        %shift_left3A = arith.constant 1 : i32
        %shift_left3A_74 = vector.broadcast %shift_left3A : i32 to vector<16xi32>
        %shift_left3A_75 = arith.shli %and3A_73, %shift_left3A_74 : vector<16xi32>
        %add3A_76 = arith.addi %and3A_70, %shift_left3A_75 : vector<16xi32>
        %shift_right_arithmetic3A = arith.constant 8 : i32
        %shift_right_arithmetic3A_77 = vector.broadcast %shift_right_arithmetic3A : i32 to vector<16xi32>
        %shift_right_arithmetic3A_78 = arith.shrsi %get3A_68, %shift_right_arithmetic3A_77 : vector<16xi32>
        %and3A_79 = arith.constant 1 : i32
        %and3A_80 = vector.broadcast %and3A_79 : i32 to vector<16xi32>
        %and3A_81 = arith.andi %shift_right_arithmetic3A_78, %and3A_80 : vector<16xi32>
        %add3A_82 = arith.addi %add3A_76, %and3A_81 : vector<16xi32>
        %mul3A_83 = arith.constant 16 : i32
        %mul3A_84 = arith.muli %mul3A_83, %scan3A_64 : i32
        %swap3A = arith.index_cast %scan3A_58 : i32 to index
        %swap3A_85 = arith.index_cast %mul3A_84 : i32 to index
        %swap3A_86 = tpu.vector_load %arg5[%swap3A, %swap3A_85] {strides = array<i32>} : memref<200x128xi32, #tpu.memory_space<vmem>>, vector<16xi32>,
        tpu.vector_store %arg5[%swap3A, %swap3A_85], %add3A_82 {strides = array<i32>} : memref<200x128xi32, #tpu.memory_space<vmem>>, vector<16xi32>,
      }
      %scan3A_63 = arith.constant 8 : i32
    }
    %scan3A_7 = arith.constant 200 : i32
    %dma_start3A = arith.constant 0 : i32
    %dma_start3A_8 = arith.constant 0 : i32
    %dma_start3A_9 = arith.constant 0 : i32
    %dma_start3A_10 = arith.constant 0 : i32
    %dma_start3A_11 = tpu.memref_slice %arg6[%dma_start3A_8, %dma_start3A_9, %dma_start3A_10] : memref<2x128x64xf32, #tpu.memory_space<vmem>> -> memref<1x128x64xf32, #tpu.memory_space<vmem>>
    %dma_start3A_12 = tpu.memref_squeeze %dma_start3A_11 : memref<1x128x64xf32, #tpu.memory_space<vmem>> -> memref<128x64xf32, #tpu.memory_space<vmem>>
    %dma_start3A_13 = arith.constant 0 : i32
    %dma_start3A_14 = tpu.memref_slice %arg5[%dma_start3A, %dma_start3A_13] : memref<200x128xi32, #tpu.memory_space<vmem>> -> memref<1x128xi32, #tpu.memory_space<vmem>>
    %dma_start3A_15 = tpu.memref_squeeze %dma_start3A_14 : memref<1x128xi32, #tpu.memory_space<vmem>> -> memref<128xi32, #tpu.memory_space<vmem>>
    %dma_start3A_16 = arith.constant 0 : i32
    %dma_start3A_17 = arith.constant 0 : i32
    %dma_start3A_18 = tpu.memref_slice %arg3[%dma_start3A_16, %dma_start3A_17] : memref<1007616x64xf32, #tpu.memory_space<hbm>> -> memref<1007616x64xf32, #tpu.memory_space<hbm>>
    tpu.enqueue_indirect_dma source(%dma_start3A_18 : memref<1007616x64xf32, #tpu.memory_space<hbm>>) target(%dma_start3A_12 : memref<128x64xf32, #tpu.memory_space<vmem>>) offsets(%dma_start3A_15 : memref<128xi32, #tpu.memory_space<vmem>>) semaphore(%arg8 : memref<!tpu.dma_semaphore, #tpu.memory_space<semaphore_mem>>)
    %scan3A_19 = arith.constant 0 : i32
    %scan3A_20 = arith.constant 0 : i32
    %scan3A_21 = arith.constant 100 : i32
    %scan3A_22 = arith.addi %scan3A_20, %scan3A_21 : i32
    %scan3A_23 = arith.constant 1 : i32
    scf.for %scan3A_58 = %scan3A_20 to %scan3A_22 step %scan3A_23  : i32 {
      %mul3A_59 = arith.constant 2 : i32
      %mul3A_60 = arith.muli %mul3A_59, %scan3A_58 : i32
      %add3A_61 = arith.constant 1 : i32
      %add3A_62 = arith.addi %mul3A_60, %add3A_61 : i32
      %dma_start3A_63 = arith.constant 1 : i32
      %dma_start3A_64 = arith.constant 0 : i32
      %dma_start3A_65 = arith.constant 0 : i32
      %dma_start3A_66 = tpu.memref_slice %arg6[%dma_start3A_63, %dma_start3A_64, %dma_start3A_65] : memref<2x128x64xf32, #tpu.memory_space<vmem>> -> memref<1x128x64xf32, #tpu.memory_space<vmem>>
      %dma_start3A_67 = tpu.memref_squeeze %dma_start3A_66 : memref<1x128x64xf32, #tpu.memory_space<vmem>> -> memref<128x64xf32, #tpu.memory_space<vmem>>
      %dma_start3A_68 = arith.constant 0 : i32
      %dma_start3A_69 = tpu.memref_slice %arg5[%add3A_62, %dma_start3A_68] : memref<200x128xi32, #tpu.memory_space<vmem>> -> memref<1x128xi32, #tpu.memory_space<vmem>>
      %dma_start3A_70 = tpu.memref_squeeze %dma_start3A_69 : memref<1x128xi32, #tpu.memory_space<vmem>> -> memref<128xi32, #tpu.memory_space<vmem>>
      %dma_start3A_71 = arith.constant 0 : i32
      %dma_start3A_72 = arith.constant 0 : i32
      %dma_start3A_73 = tpu.memref_slice %arg3[%dma_start3A_71, %dma_start3A_72] : memref<1007616x64xf32, #tpu.memory_space<hbm>> -> memref<1007616x64xf32, #tpu.memory_space<hbm>>
      tpu.enqueue_indirect_dma source(%dma_start3A_73 : memref<1007616x64xf32, #tpu.memory_space<hbm>>) target(%dma_start3A_67 : memref<128x64xf32, #tpu.memory_space<vmem>>) offsets(%dma_start3A_70 : memref<128xi32, #tpu.memory_space<vmem>>) semaphore(%arg9 : memref<!tpu.dma_semaphore, #tpu.memory_space<semaphore_mem>>)
      %dma_wait3A_74 = arith.constant 0 : i32
      %dma_wait3A_75 = arith.constant 0 : i32
      %dma_wait3A_76 = arith.constant 0 : i32
      %dma_wait3A_77 = arith.constant 0 : i32
      %dma_wait3A_78 = tpu.memref_slice %arg6[%dma_wait3A_75, %dma_wait3A_76, %dma_wait3A_77] : memref<2x128x64xf32, #tpu.memory_space<vmem>> -> memref<1x128x64xf32, #tpu.memory_space<vmem>>
      %dma_wait3A_79 = tpu.memref_squeeze %dma_wait3A_78 : memref<1x128x64xf32, #tpu.memory_space<vmem>> -> memref<128x64xf32, #tpu.memory_space<vmem>>
      %dma_wait3A_80 = arith.constant 0 : i32
      %dma_wait3A_81 = tpu.memref_slice %arg5[%dma_wait3A_74, %dma_wait3A_80] : memref<200x128xi32, #tpu.memory_space<vmem>> -> memref<1x128xi32, #tpu.memory_space<vmem>>
      %dma_wait3A_82 = tpu.memref_squeeze %dma_wait3A_81 : memref<1x128xi32, #tpu.memory_space<vmem>> -> memref<128xi32, #tpu.memory_space<vmem>>
      %dma_wait3A_83 = arith.constant 0 : i32
      %dma_wait3A_84 = arith.constant 0 : i32
      %dma_wait3A_85 = tpu.memref_slice %arg3[%dma_wait3A_83, %dma_wait3A_84] : memref<1007616x64xf32, #tpu.memory_space<hbm>> -> memref<1007616x64xf32, #tpu.memory_space<hbm>>
      tpu.wait_indirect_dma semaphore(%arg8 : memref<!tpu.dma_semaphore, #tpu.memory_space<semaphore_mem>>) src(%dma_wait3A_85 : memref<1007616x64xf32, #tpu.memory_space<hbm>>) dst(%dma_wait3A_79 : memref<128x64xf32, #tpu.memory_space<vmem>>)
      %eq3A = arith.constant 0 : i32
      %eq3A_86 = arith.cmpi eq, %scan3A_58, %eq3A : i32
      %not3A = arith.constant true
      %not3A_87 = arith.xori %eq3A_86, %not3A : i1
      %convert_element_type3A = arith.extui %not3A_87 : i1 to i32
      %cond3A = arith.constant 0 : i32
      %cond3A_88 = arith.cmpi ne, %convert_element_type3A, %cond3A : i32
      scf.if %cond3A_88 {
        %multiple_of3A_207 = arith.constant 0 : i32
        %multiple_of3A_208 = tpu.assume_multiple %multiple_of3A_207, 8 : i32
        %dma_wait3A_209 = arith.constant 0 : i32
        %dma_wait3A_210 = arith.constant 0 : i32
        %dma_wait3A_211 = arith.constant 0 : i32
        %dma_wait3A_212 = arith.constant 0 : i32
        %dma_wait3A_213 = tpu.memref_slice %arg7[%dma_wait3A_209, %dma_wait3A_210, %dma_wait3A_211, %dma_wait3A_212] : memref<2x8x1x1024xf32, #tpu.memory_space<vmem>> -> memref<1x8x1x1024xf32, #tpu.memory_space<vmem>>
        %dma_wait3A_214 = tpu.memref_squeeze %dma_wait3A_213 : memref<1x8x1x1024xf32, #tpu.memory_space<vmem>> -> memref<8x1x1024xf32, #tpu.memory_space<vmem>>
        %dma_wait3A_215 = arith.constant 0 : i32
        %dma_wait3A_216 = tpu.memref_slice %arg4[%multiple_of3A_208, %add3A, %dma_wait3A_215] : memref<1600x32x1024xf32, #tpu.memory_space<hbm>> -> memref<8x1x1024xf32, #tpu.memory_space<hbm>>
        %dma_wait3A_217 = arith.constant 0 : i32
        %dma_wait3A_218 = arith.constant 0 : i32
        %dma_wait3A_219 = arith.constant 0 : i32
        %dma_wait3A_220 = tpu.memref_slice %arg7[%dma_wait3A_209, %dma_wait3A_217, %dma_wait3A_218, %dma_wait3A_219] : memref<2x8x1x1024xf32, #tpu.memory_space<vmem>> -> memref<1x8x1x1024xf32, #tpu.memory_space<vmem>>
        %dma_wait3A_221 = tpu.memref_squeeze %dma_wait3A_220 : memref<1x8x1x1024xf32, #tpu.memory_space<vmem>> -> memref<8x1x1024xf32, #tpu.memory_space<vmem>>
        %dma_wait3A_222 = arith.constant 0 : i32
        %dma_wait3A_223 = tpu.memref_slice %arg4[%multiple_of3A_208, %add3A, %dma_wait3A_222] : memref<1600x32x1024xf32, #tpu.memory_space<hbm>> -> memref<8x1x1024xf32, #tpu.memory_space<hbm>>
        tpu.wait_dma2 semaphore(%arg10 : memref<!tpu.dma_semaphore, #tpu.memory_space<semaphore_mem>>) src(%dma_wait3A_223 : memref<8x1x1024xf32, #tpu.memory_space<hbm>>) dst(%dma_wait3A_221 : memref<8x1x1024xf32, #tpu.memory_space<vmem>>)
      } else {
      }
      %add3A_89 = arith.constant 0 : i32
      %add3A_90 = vector.broadcast %add3A_89 : i32 to vector<16xi32>
      %add3A_91 = arith.addi %add3A_90, %iota3A : vector<16xi32>
      %add3A_92 = arith.constant 16 : i32
      %add3A_93 = vector.broadcast %add3A_92 : i32 to vector<16xi32>
      %add3A_94 = arith.addi %add3A_93, %iota3A : vector<16xi32>
      %add3A_95 = arith.constant 32 : i32
      %add3A_96 = vector.broadcast %add3A_95 : i32 to vector<16xi32>
      %add3A_97 = arith.addi %add3A_96, %iota3A : vector<16xi32>
      %add3A_98 = arith.constant 48 : i32
      %add3A_99 = vector.broadcast %add3A_98 : i32 to vector<16xi32>
      %add3A_100 = arith.addi %add3A_99, %iota3A : vector<16xi32>
      %add3A_101 = arith.constant 64 : i32
      %add3A_102 = vector.broadcast %add3A_101 : i32 to vector<16xi32>
      %add3A_103 = arith.addi %add3A_102, %iota3A : vector<16xi32>
      %add3A_104 = arith.constant 80 : i32
      %add3A_105 = vector.broadcast %add3A_104 : i32 to vector<16xi32>
      %add3A_106 = arith.addi %add3A_105, %iota3A : vector<16xi32>
      %add3A_107 = arith.constant 96 : i32
      %add3A_108 = vector.broadcast %add3A_107 : i32 to vector<16xi32>
      %add3A_109 = arith.addi %add3A_108, %iota3A : vector<16xi32>
      %add3A_110 = arith.constant 112 : i32
      %add3A_111 = vector.broadcast %add3A_110 : i32 to vector<16xi32>
      %add3A_112 = arith.addi %add3A_111, %iota3A : vector<16xi32>
      %parallel_loop3A = arith.constant 0 : i32
      %parallel_loop3A_113 = arith.constant 64 : i32
      %parallel_loop3A_114 = arith.constant 1 : i32
      %parallel_loop3A_115 = arith.constant 0 : i32
      %parallel_loop3A_116 = arith.constant 0 : i32
      scf.for %parallel_loop3A_207 = %parallel_loop3A to %parallel_loop3A_113 step %parallel_loop3A_114  : i32 {
        %parallel_loop3A_208 = arith.constant 3 : i32
        %parallel_loop3A_209 = arith.shrsi %parallel_loop3A_207, %parallel_loop3A_208 : i32
        %parallel_loop3A_210 = arith.constant 7 : i32
        %parallel_loop3A_211 = arith.andi %parallel_loop3A_207, %parallel_loop3A_210 : i32
        %parallel_loop3A_212 = arith.constant 128 : i32
        %parallel_loop3A_213 = arith.muli %parallel_loop3A_211, %parallel_loop3A_212 : i32
        %parallel_loop3A_214 = vector.broadcast %parallel_loop3A_207 : i32 to vector<16xi32>
        %parallel_loop3A_215 = arith.constant 0 : i32
        %parallel_loop3A_216 = arith.constant 0 : i32
        %parallel_loop3A_217 = tpu.memref_slice %arg6[%parallel_loop3A_115, %parallel_loop3A_215, %parallel_loop3A_216] : memref<2x128x64xf32, #tpu.memory_space<vmem>> -> memref<1x128x64xf32, #tpu.memory_space<vmem>>
        %parallel_loop3A_218 = tpu.memref_squeeze %parallel_loop3A_217 : memref<1x128x64xf32, #tpu.memory_space<vmem>> -> memref<128x64xf32, #tpu.memory_space<vmem>>
        %parallel_loop3A_219 = tpu.vector_load_idx %parallel_loop3A_218[%add3A_91, %parallel_loop3A_214] : memref<128x64xf32, #tpu.memory_space<vmem>>[vector<16xi32>, vector<16xi32>], vector<16xf32>,
        %parallel_loop3A_220 = arith.constant 0 : i32
        %parallel_loop3A_221 = arith.addi %parallel_loop3A_213, %parallel_loop3A_220 : i32
        %parallel_loop3A_222 = arith.constant 0 : i32
        %parallel_loop3A_223 = arith.constant 0 : i32
        %parallel_loop3A_224 = arith.constant 0 : i32
        %parallel_loop3A_225 = arith.constant 0 : i32
        %parallel_loop3A_226 = tpu.memref_slice %arg7[%parallel_loop3A_116, %parallel_loop3A_223, %parallel_loop3A_224, %parallel_loop3A_225] : memref<2x8x1x1024xf32, #tpu.memory_space<vmem>> -> memref<1x8x1x1024xf32, #tpu.memory_space<vmem>>
        %parallel_loop3A_227 = tpu.memref_squeeze %parallel_loop3A_226 : memref<1x8x1x1024xf32, #tpu.memory_space<vmem>> -> memref<8x1x1024xf32, #tpu.memory_space<vmem>>
        %parallel_loop3A_228 = arith.index_cast %parallel_loop3A_209 : i32 to index
        %parallel_loop3A_229 = arith.index_cast %parallel_loop3A_222 : i32 to index
        %parallel_loop3A_230 = arith.index_cast %parallel_loop3A_221 : i32 to index
        %parallel_loop3A_231 = tpu.vector_load %parallel_loop3A_227[%parallel_loop3A_228, %parallel_loop3A_229, %parallel_loop3A_230] {strides = array<i32>} : memref<8x1x1024xf32, #tpu.memory_space<vmem>>, vector<16xf32>,
        tpu.vector_store %parallel_loop3A_227[%parallel_loop3A_228, %parallel_loop3A_229, %parallel_loop3A_230], %parallel_loop3A_219 {strides = array<i32>} : memref<8x1x1024xf32, #tpu.memory_space<vmem>>, vector<16xf32>,
        %parallel_loop3A_232 = arith.constant 0 : i32
        %parallel_loop3A_233 = arith.constant 0 : i32
        %parallel_loop3A_234 = tpu.memref_slice %arg6[%parallel_loop3A_115, %parallel_loop3A_232, %parallel_loop3A_233] : memref<2x128x64xf32, #tpu.memory_space<vmem>> -> memref<1x128x64xf32, #tpu.memory_space<vmem>>
        %parallel_loop3A_235 = tpu.memref_squeeze %parallel_loop3A_234 : memref<1x128x64xf32, #tpu.memory_space<vmem>> -> memref<128x64xf32, #tpu.memory_space<vmem>>
        %parallel_loop3A_236 = tpu.vector_load_idx %parallel_loop3A_235[%add3A_94, %parallel_loop3A_214] : memref<128x64xf32, #tpu.memory_space<vmem>>[vector<16xi32>, vector<16xi32>], vector<16xf32>,
        %parallel_loop3A_237 = arith.constant 16 : i32
        %parallel_loop3A_238 = arith.addi %parallel_loop3A_213, %parallel_loop3A_237 : i32
        %parallel_loop3A_239 = arith.constant 0 : i32
        %parallel_loop3A_240 = arith.constant 0 : i32
        %parallel_loop3A_241 = arith.constant 0 : i32
        %parallel_loop3A_242 = arith.constant 0 : i32
        %parallel_loop3A_243 = tpu.memref_slice %arg7[%parallel_loop3A_116, %parallel_loop3A_240, %parallel_loop3A_241, %parallel_loop3A_242] : memref<2x8x1x1024xf32, #tpu.memory_space<vmem>> -> memref<1x8x1x1024xf32, #tpu.memory_space<vmem>>
        %parallel_loop3A_244 = tpu.memref_squeeze %parallel_loop3A_243 : memref<1x8x1x1024xf32, #tpu.memory_space<vmem>> -> memref<8x1x1024xf32, #tpu.memory_space<vmem>>
        %parallel_loop3A_245 = arith.index_cast %parallel_loop3A_209 : i32 to index
        %parallel_loop3A_246 = arith.index_cast %parallel_loop3A_239 : i32 to index
        %parallel_loop3A_247 = arith.index_cast %parallel_loop3A_238 : i32 to index
        %parallel_loop3A_248 = tpu.vector_load %parallel_loop3A_244[%parallel_loop3A_245, %parallel_loop3A_246, %parallel_loop3A_247] {strides = array<i32>} : memref<8x1x1024xf32, #tpu.memory_space<vmem>>, vector<16xf32>,
        tpu.vector_store %parallel_loop3A_244[%parallel_loop3A_245, %parallel_loop3A_246, %parallel_loop3A_247], %parallel_loop3A_236 {strides = array<i32>} : memref<8x1x1024xf32, #tpu.memory_space<vmem>>, vector<16xf32>,
        %parallel_loop3A_249 = arith.constant 0 : i32
        %parallel_loop3A_250 = arith.constant 0 : i32
        %parallel_loop3A_251 = tpu.memref_slice %arg6[%parallel_loop3A_115, %parallel_loop3A_249, %parallel_loop3A_250] : memref<2x128x64xf32, #tpu.memory_space<vmem>> -> memref<1x128x64xf32, #tpu.memory_space<vmem>>
        %parallel_loop3A_252 = tpu.memref_squeeze %parallel_loop3A_251 : memref<1x128x64xf32, #tpu.memory_space<vmem>> -> memref<128x64xf32, #tpu.memory_space<vmem>>
        %parallel_loop3A_253 = tpu.vector_load_idx %parallel_loop3A_252[%add3A_97, %parallel_loop3A_214] : memref<128x64xf32, #tpu.memory_space<vmem>>[vector<16xi32>, vector<16xi32>], vector<16xf32>,
        %parallel_loop3A_254 = arith.constant 32 : i32
        %parallel_loop3A_255 = arith.addi %parallel_loop3A_213, %parallel_loop3A_254 : i32
        %parallel_loop3A_256 = arith.constant 0 : i32
        %parallel_loop3A_257 = arith.constant 0 : i32
        %parallel_loop3A_258 = arith.constant 0 : i32
        %parallel_loop3A_259 = arith.constant 0 : i32
        %parallel_loop3A_260 = tpu.memref_slice %arg7[%parallel_loop3A_116, %parallel_loop3A_257, %parallel_loop3A_258, %parallel_loop3A_259] : memref<2x8x1x1024xf32, #tpu.memory_space<vmem>> -> memref<1x8x1x1024xf32, #tpu.memory_space<vmem>>
        %parallel_loop3A_261 = tpu.memref_squeeze %parallel_loop3A_260 : memref<1x8x1x1024xf32, #tpu.memory_space<vmem>> -> memref<8x1x1024xf32, #tpu.memory_space<vmem>>
        %parallel_loop3A_262 = arith.index_cast %parallel_loop3A_209 : i32 to index
        %parallel_loop3A_263 = arith.index_cast %parallel_loop3A_256 : i32 to index
        %parallel_loop3A_264 = arith.index_cast %parallel_loop3A_255 : i32 to index
        %parallel_loop3A_265 = tpu.vector_load %parallel_loop3A_261[%parallel_loop3A_262, %parallel_loop3A_263, %parallel_loop3A_264] {strides = array<i32>} : memref<8x1x1024xf32, #tpu.memory_space<vmem>>, vector<16xf32>,
        tpu.vector_store %parallel_loop3A_261[%parallel_loop3A_262, %parallel_loop3A_263, %parallel_loop3A_264], %parallel_loop3A_253 {strides = array<i32>} : memref<8x1x1024xf32, #tpu.memory_space<vmem>>, vector<16xf32>,
        %parallel_loop3A_266 = arith.constant 0 : i32
        %parallel_loop3A_267 = arith.constant 0 : i32
        %parallel_loop3A_268 = tpu.memref_slice %arg6[%parallel_loop3A_115, %parallel_loop3A_266, %parallel_loop3A_267] : memref<2x128x64xf32, #tpu.memory_space<vmem>> -> memref<1x128x64xf32, #tpu.memory_space<vmem>>
        %parallel_loop3A_269 = tpu.memref_squeeze %parallel_loop3A_268 : memref<1x128x64xf32, #tpu.memory_space<vmem>> -> memref<128x64xf32, #tpu.memory_space<vmem>>
        %parallel_loop3A_270 = tpu.vector_load_idx %parallel_loop3A_269[%add3A_100, %parallel_loop3A_214] : memref<128x64xf32, #tpu.memory_space<vmem>>[vector<16xi32>, vector<16xi32>], vector<16xf32>,
        %parallel_loop3A_271 = arith.constant 48 : i32
        %parallel_loop3A_272 = arith.addi %parallel_loop3A_213, %parallel_loop3A_271 : i32
        %parallel_loop3A_273 = arith.constant 0 : i32
        %parallel_loop3A_274 = arith.constant 0 : i32
        %parallel_loop3A_275 = arith.constant 0 : i32
        %parallel_loop3A_276 = arith.constant 0 : i32
        %parallel_loop3A_277 = tpu.memref_slice %arg7[%parallel_loop3A_116, %parallel_loop3A_274, %parallel_loop3A_275, %parallel_loop3A_276] : memref<2x8x1x1024xf32, #tpu.memory_space<vmem>> -> memref<1x8x1x1024xf32, #tpu.memory_space<vmem>>
        %parallel_loop3A_278 = tpu.memref_squeeze %parallel_loop3A_277 : memref<1x8x1x1024xf32, #tpu.memory_space<vmem>> -> memref<8x1x1024xf32, #tpu.memory_space<vmem>>
        %parallel_loop3A_279 = arith.index_cast %parallel_loop3A_209 : i32 to index
        %parallel_loop3A_280 = arith.index_cast %parallel_loop3A_273 : i32 to index
        %parallel_loop3A_281 = arith.index_cast %parallel_loop3A_272 : i32 to index
        %parallel_loop3A_282 = tpu.vector_load %parallel_loop3A_278[%parallel_loop3A_279, %parallel_loop3A_280, %parallel_loop3A_281] {strides = array<i32>} : memref<8x1x1024xf32, #tpu.memory_space<vmem>>, vector<16xf32>,
        tpu.vector_store %parallel_loop3A_278[%parallel_loop3A_279, %parallel_loop3A_280, %parallel_loop3A_281], %parallel_loop3A_270 {strides = array<i32>} : memref<8x1x1024xf32, #tpu.memory_space<vmem>>, vector<16xf32>,
        %parallel_loop3A_283 = arith.constant 0 : i32
        %parallel_loop3A_284 = arith.constant 0 : i32
        %parallel_loop3A_285 = tpu.memref_slice %arg6[%parallel_loop3A_115, %parallel_loop3A_283, %parallel_loop3A_284] : memref<2x128x64xf32, #tpu.memory_space<vmem>> -> memref<1x128x64xf32, #tpu.memory_space<vmem>>
        %parallel_loop3A_286 = tpu.memref_squeeze %parallel_loop3A_285 : memref<1x128x64xf32, #tpu.memory_space<vmem>> -> memref<128x64xf32, #tpu.memory_space<vmem>>
        %parallel_loop3A_287 = tpu.vector_load_idx %parallel_loop3A_286[%add3A_103, %parallel_loop3A_214] : memref<128x64xf32, #tpu.memory_space<vmem>>[vector<16xi32>, vector<16xi32>], vector<16xf32>,
        %parallel_loop3A_288 = arith.constant 64 : i32
        %parallel_loop3A_289 = arith.addi %parallel_loop3A_213, %parallel_loop3A_288 : i32
        %parallel_loop3A_290 = arith.constant 0 : i32
        %parallel_loop3A_291 = arith.constant 0 : i32
        %parallel_loop3A_292 = arith.constant 0 : i32
        %parallel_loop3A_293 = arith.constant 0 : i32
        %parallel_loop3A_294 = tpu.memref_slice %arg7[%parallel_loop3A_116, %parallel_loop3A_291, %parallel_loop3A_292, %parallel_loop3A_293] : memref<2x8x1x1024xf32, #tpu.memory_space<vmem>> -> memref<1x8x1x1024xf32, #tpu.memory_space<vmem>>
        %parallel_loop3A_295 = tpu.memref_squeeze %parallel_loop3A_294 : memref<1x8x1x1024xf32, #tpu.memory_space<vmem>> -> memref<8x1x1024xf32, #tpu.memory_space<vmem>>
        %parallel_loop3A_296 = arith.index_cast %parallel_loop3A_209 : i32 to index
        %parallel_loop3A_297 = arith.index_cast %parallel_loop3A_290 : i32 to index
        %parallel_loop3A_298 = arith.index_cast %parallel_loop3A_289 : i32 to index
        %parallel_loop3A_299 = tpu.vector_load %parallel_loop3A_295[%parallel_loop3A_296, %parallel_loop3A_297, %parallel_loop3A_298] {strides = array<i32>} : memref<8x1x1024xf32, #tpu.memory_space<vmem>>, vector<16xf32>,
        tpu.vector_store %parallel_loop3A_295[%parallel_loop3A_296, %parallel_loop3A_297, %parallel_loop3A_298], %parallel_loop3A_287 {strides = array<i32>} : memref<8x1x1024xf32, #tpu.memory_space<vmem>>, vector<16xf32>,
        %parallel_loop3A_300 = arith.constant 0 : i32
        %parallel_loop3A_301 = arith.constant 0 : i32
        %parallel_loop3A_302 = tpu.memref_slice %arg6[%parallel_loop3A_115, %parallel_loop3A_300, %parallel_loop3A_301] : memref<2x128x64xf32, #tpu.memory_space<vmem>> -> memref<1x128x64xf32, #tpu.memory_space<vmem>>
        %parallel_loop3A_303 = tpu.memref_squeeze %parallel_loop3A_302 : memref<1x128x64xf32, #tpu.memory_space<vmem>> -> memref<128x64xf32, #tpu.memory_space<vmem>>
        %parallel_loop3A_304 = tpu.vector_load_idx %parallel_loop3A_303[%add3A_106, %parallel_loop3A_214] : memref<128x64xf32, #tpu.memory_space<vmem>>[vector<16xi32>, vector<16xi32>], vector<16xf32>,
        %parallel_loop3A_305 = arith.constant 80 : i32
        %parallel_loop3A_306 = arith.addi %parallel_loop3A_213, %parallel_loop3A_305 : i32
        %parallel_loop3A_307 = arith.constant 0 : i32
        %parallel_loop3A_308 = arith.constant 0 : i32
        %parallel_loop3A_309 = arith.constant 0 : i32
        %parallel_loop3A_310 = arith.constant 0 : i32
        %parallel_loop3A_311 = tpu.memref_slice %arg7[%parallel_loop3A_116, %parallel_loop3A_308, %parallel_loop3A_309, %parallel_loop3A_310] : memref<2x8x1x1024xf32, #tpu.memory_space<vmem>> -> memref<1x8x1x1024xf32, #tpu.memory_space<vmem>>
        %parallel_loop3A_312 = tpu.memref_squeeze %parallel_loop3A_311 : memref<1x8x1x1024xf32, #tpu.memory_space<vmem>> -> memref<8x1x1024xf32, #tpu.memory_space<vmem>>
        %parallel_loop3A_313 = arith.index_cast %parallel_loop3A_209 : i32 to index
        %parallel_loop3A_314 = arith.index_cast %parallel_loop3A_307 : i32 to index
        %parallel_loop3A_315 = arith.index_cast %parallel_loop3A_306 : i32 to index
        %parallel_loop3A_316 = tpu.vector_load %parallel_loop3A_312[%parallel_loop3A_313, %parallel_loop3A_314, %parallel_loop3A_315] {strides = array<i32>} : memref<8x1x1024xf32, #tpu.memory_space<vmem>>, vector<16xf32>,
        tpu.vector_store %parallel_loop3A_312[%parallel_loop3A_313, %parallel_loop3A_314, %parallel_loop3A_315], %parallel_loop3A_304 {strides = array<i32>} : memref<8x1x1024xf32, #tpu.memory_space<vmem>>, vector<16xf32>,
        %parallel_loop3A_317 = arith.constant 0 : i32
        %parallel_loop3A_318 = arith.constant 0 : i32
        %parallel_loop3A_319 = tpu.memref_slice %arg6[%parallel_loop3A_115, %parallel_loop3A_317, %parallel_loop3A_318] : memref<2x128x64xf32, #tpu.memory_space<vmem>> -> memref<1x128x64xf32, #tpu.memory_space<vmem>>
        %parallel_loop3A_320 = tpu.memref_squeeze %parallel_loop3A_319 : memref<1x128x64xf32, #tpu.memory_space<vmem>> -> memref<128x64xf32, #tpu.memory_space<vmem>>
        %parallel_loop3A_321 = tpu.vector_load_idx %parallel_loop3A_320[%add3A_109, %parallel_loop3A_214] : memref<128x64xf32, #tpu.memory_space<vmem>>[vector<16xi32>, vector<16xi32>], vector<16xf32>,
        %parallel_loop3A_322 = arith.constant 96 : i32
        %parallel_loop3A_323 = arith.addi %parallel_loop3A_213, %parallel_loop3A_322 : i32
        %parallel_loop3A_324 = arith.constant 0 : i32
        %parallel_loop3A_325 = arith.constant 0 : i32
        %parallel_loop3A_326 = arith.constant 0 : i32
        %parallel_loop3A_327 = arith.constant 0 : i32
        %parallel_loop3A_328 = tpu.memref_slice %arg7[%parallel_loop3A_116, %parallel_loop3A_325, %parallel_loop3A_326, %parallel_loop3A_327] : memref<2x8x1x1024xf32, #tpu.memory_space<vmem>> -> memref<1x8x1x1024xf32, #tpu.memory_space<vmem>>
        %parallel_loop3A_329 = tpu.memref_squeeze %parallel_loop3A_328 : memref<1x8x1x1024xf32, #tpu.memory_space<vmem>> -> memref<8x1x1024xf32, #tpu.memory_space<vmem>>
        %parallel_loop3A_330 = arith.index_cast %parallel_loop3A_209 : i32 to index
        %parallel_loop3A_331 = arith.index_cast %parallel_loop3A_324 : i32 to index
        %parallel_loop3A_332 = arith.index_cast %parallel_loop3A_323 : i32 to index
        %parallel_loop3A_333 = tpu.vector_load %parallel_loop3A_329[%parallel_loop3A_330, %parallel_loop3A_331, %parallel_loop3A_332] {strides = array<i32>} : memref<8x1x1024xf32, #tpu.memory_space<vmem>>, vector<16xf32>,
        tpu.vector_store %parallel_loop3A_329[%parallel_loop3A_330, %parallel_loop3A_331, %parallel_loop3A_332], %parallel_loop3A_321 {strides = array<i32>} : memref<8x1x1024xf32, #tpu.memory_space<vmem>>, vector<16xf32>,
        %parallel_loop3A_334 = arith.constant 0 : i32
        %parallel_loop3A_335 = arith.constant 0 : i32
        %parallel_loop3A_336 = tpu.memref_slice %arg6[%parallel_loop3A_115, %parallel_loop3A_334, %parallel_loop3A_335] : memref<2x128x64xf32, #tpu.memory_space<vmem>> -> memref<1x128x64xf32, #tpu.memory_space<vmem>>
        %parallel_loop3A_337 = tpu.memref_squeeze %parallel_loop3A_336 : memref<1x128x64xf32, #tpu.memory_space<vmem>> -> memref<128x64xf32, #tpu.memory_space<vmem>>
        %parallel_loop3A_338 = tpu.vector_load_idx %parallel_loop3A_337[%add3A_112, %parallel_loop3A_214] : memref<128x64xf32, #tpu.memory_space<vmem>>[vector<16xi32>, vector<16xi32>], vector<16xf32>,
        %parallel_loop3A_339 = arith.constant 112 : i32
        %parallel_loop3A_340 = arith.addi %parallel_loop3A_213, %parallel_loop3A_339 : i32
        %parallel_loop3A_341 = arith.constant 0 : i32
        %parallel_loop3A_342 = arith.constant 0 : i32
        %parallel_loop3A_343 = arith.constant 0 : i32
        %parallel_loop3A_344 = arith.constant 0 : i32
        %parallel_loop3A_345 = tpu.memref_slice %arg7[%parallel_loop3A_116, %parallel_loop3A_342, %parallel_loop3A_343, %parallel_loop3A_344] : memref<2x8x1x1024xf32, #tpu.memory_space<vmem>> -> memref<1x8x1x1024xf32, #tpu.memory_space<vmem>>
        %parallel_loop3A_346 = tpu.memref_squeeze %parallel_loop3A_345 : memref<1x8x1x1024xf32, #tpu.memory_space<vmem>> -> memref<8x1x1024xf32, #tpu.memory_space<vmem>>
        %parallel_loop3A_347 = arith.index_cast %parallel_loop3A_209 : i32 to index
        %parallel_loop3A_348 = arith.index_cast %parallel_loop3A_341 : i32 to index
        %parallel_loop3A_349 = arith.index_cast %parallel_loop3A_340 : i32 to index
        %parallel_loop3A_350 = tpu.vector_load %parallel_loop3A_346[%parallel_loop3A_347, %parallel_loop3A_348, %parallel_loop3A_349] {strides = array<i32>} : memref<8x1x1024xf32, #tpu.memory_space<vmem>>, vector<16xf32>,
        tpu.vector_store %parallel_loop3A_346[%parallel_loop3A_347, %parallel_loop3A_348, %parallel_loop3A_349], %parallel_loop3A_338 {strides = array<i32>} : memref<8x1x1024xf32, #tpu.memory_space<vmem>>, vector<16xf32>,
      } {sc.loop_unroll_factor = 8 : i64, sc.parallel_access}
      %mul3A_117 = arith.constant 8 : i32
      %mul3A_118 = arith.muli %mul3A_117, %mul3A_60 : i32
      %multiple_of3A_119 = tpu.assume_multiple %mul3A_118, 8 : i32
      %dma_start3A_120 = arith.constant 0 : i32
      %dma_start3A_121 = arith.constant 0 : i32
      %dma_start3A_122 = arith.constant 0 : i32
      %dma_start3A_123 = arith.constant 0 : i32
      %dma_start3A_124 = tpu.memref_slice %arg7[%dma_start3A_120, %dma_start3A_121, %dma_start3A_122, %dma_start3A_123] : memref<2x8x1x1024xf32, #tpu.memory_space<vmem>> -> memref<1x8x1x1024xf32, #tpu.memory_space<vmem>>
      %dma_start3A_125 = tpu.memref_squeeze %dma_start3A_124 : memref<1x8x1x1024xf32, #tpu.memory_space<vmem>> -> memref<8x1x1024xf32, #tpu.memory_space<vmem>>
      %dma_start3A_126 = arith.constant 0 : i32
      %dma_start3A_127 = tpu.memref_slice %arg4[%multiple_of3A_119, %add3A, %dma_start3A_126] : memref<1600x32x1024xf32, #tpu.memory_space<hbm>> -> memref<8x1x1024xf32, #tpu.memory_space<hbm>>
      %dma_start3A_128 = arith.constant 0 : i32
      %dma_start3A_129 = tpu.memref_slice %arg4[%multiple_of3A_119, %add3A, %dma_start3A_128] : memref<1600x32x1024xf32, #tpu.memory_space<hbm>> -> memref<8x1x1024xf32, #tpu.memory_space<hbm>>
      %dma_start3A_130 = arith.constant 0 : i32
      %dma_start3A_131 = arith.constant 0 : i32
      %dma_start3A_132 = arith.constant 0 : i32
      %dma_start3A_133 = tpu.memref_slice %arg7[%dma_start3A_120, %dma_start3A_130, %dma_start3A_131, %dma_start3A_132] : memref<2x8x1x1024xf32, #tpu.memory_space<vmem>> -> memref<1x8x1x1024xf32, #tpu.memory_space<vmem>>
      %dma_start3A_134 = tpu.memref_squeeze %dma_start3A_133 : memref<1x8x1x1024xf32, #tpu.memory_space<vmem>> -> memref<8x1x1024xf32, #tpu.memory_space<vmem>>
      tpu.enqueue_dma source(%dma_start3A_134 : memref<8x1x1024xf32, #tpu.memory_space<vmem>>) target(%dma_start3A_129 : memref<8x1x1024xf32, #tpu.memory_space<hbm>>) target_semaphore(%arg10 : memref<!tpu.dma_semaphore, #tpu.memory_space<semaphore_mem>>)
      %lt3A = arith.constant 99 : i32
      %lt3A_135 = arith.cmpi slt, %scan3A_58, %lt3A : i32
      %convert_element_type3A_136 = arith.extui %lt3A_135 : i1 to i32
      %cond3A_137 = arith.constant 0 : i32
      %cond3A_138 = arith.cmpi ne, %convert_element_type3A_136, %cond3A_137 : i32
      scf.if %cond3A_138 {
        %add3A_207 = arith.constant 2 : i32
        %add3A_208 = arith.addi %mul3A_60, %add3A_207 : i32
        %dma_start3A_209 = arith.constant 0 : i32
        %dma_start3A_210 = arith.constant 0 : i32
        %dma_start3A_211 = arith.constant 0 : i32
        %dma_start3A_212 = tpu.memref_slice %arg6[%dma_start3A_209, %dma_start3A_210, %dma_start3A_211] : memref<2x128x64xf32, #tpu.memory_space<vmem>> -> memref<1x128x64xf32, #tpu.memory_space<vmem>>
        %dma_start3A_213 = tpu.memref_squeeze %dma_start3A_212 : memref<1x128x64xf32, #tpu.memory_space<vmem>> -> memref<128x64xf32, #tpu.memory_space<vmem>>
        %dma_start3A_214 = arith.constant 0 : i32
        %dma_start3A_215 = tpu.memref_slice %arg5[%add3A_208, %dma_start3A_214] : memref<200x128xi32, #tpu.memory_space<vmem>> -> memref<1x128xi32, #tpu.memory_space<vmem>>
        %dma_start3A_216 = tpu.memref_squeeze %dma_start3A_215 : memref<1x128xi32, #tpu.memory_space<vmem>> -> memref<128xi32, #tpu.memory_space<vmem>>
        %dma_start3A_217 = arith.constant 0 : i32
        %dma_start3A_218 = arith.constant 0 : i32
        %dma_start3A_219 = tpu.memref_slice %arg3[%dma_start3A_217, %dma_start3A_218] : memref<1007616x64xf32, #tpu.memory_space<hbm>> -> memref<1007616x64xf32, #tpu.memory_space<hbm>>
        tpu.enqueue_indirect_dma source(%dma_start3A_219 : memref<1007616x64xf32, #tpu.memory_space<hbm>>) target(%dma_start3A_213 : memref<128x64xf32, #tpu.memory_space<vmem>>) offsets(%dma_start3A_216 : memref<128xi32, #tpu.memory_space<vmem>>) semaphore(%arg8 : memref<!tpu.dma_semaphore, #tpu.memory_space<semaphore_mem>>)
      } else {
      }
      %dma_wait3A_139 = arith.constant 0 : i32
      %dma_wait3A_140 = arith.constant 1 : i32
      %dma_wait3A_141 = arith.constant 0 : i32
      %dma_wait3A_142 = arith.constant 0 : i32
      %dma_wait3A_143 = tpu.memref_slice %arg6[%dma_wait3A_140, %dma_wait3A_141, %dma_wait3A_142] : memref<2x128x64xf32, #tpu.memory_space<vmem>> -> memref<1x128x64xf32, #tpu.memory_space<vmem>>
      %dma_wait3A_144 = tpu.memref_squeeze %dma_wait3A_143 : memref<1x128x64xf32, #tpu.memory_space<vmem>> -> memref<128x64xf32, #tpu.memory_space<vmem>>
      %dma_wait3A_145 = arith.constant 0 : i32
      %dma_wait3A_146 = tpu.memref_slice %arg5[%dma_wait3A_139, %dma_wait3A_145] : memref<200x128xi32, #tpu.memory_space<vmem>> -> memref<1x128xi32, #tpu.memory_space<vmem>>
      %dma_wait3A_147 = tpu.memref_squeeze %dma_wait3A_146 : memref<1x128xi32, #tpu.memory_space<vmem>> -> memref<128xi32, #tpu.memory_space<vmem>>
      %dma_wait3A_148 = arith.constant 0 : i32
      %dma_wait3A_149 = arith.constant 0 : i32
      %dma_wait3A_150 = tpu.memref_slice %arg3[%dma_wait3A_148, %dma_wait3A_149] : memref<1007616x64xf32, #tpu.memory_space<hbm>> -> memref<1007616x64xf32, #tpu.memory_space<hbm>>
      tpu.wait_indirect_dma semaphore(%arg9 : memref<!tpu.dma_semaphore, #tpu.memory_space<semaphore_mem>>) src(%dma_wait3A_150 : memref<1007616x64xf32, #tpu.memory_space<hbm>>) dst(%dma_wait3A_144 : memref<128x64xf32, #tpu.memory_space<vmem>>)
      %add3A_151 = arith.constant 1 : i32
      %add3A_152 = arith.addi %mul3A_60, %add3A_151 : i32
      %eq3A_153 = arith.constant 0 : i32
      %eq3A_154 = arith.cmpi eq, %scan3A_58, %eq3A_153 : i32
      %not3A_155 = arith.constant true
      %not3A_156 = arith.xori %eq3A_154, %not3A_155 : i1
      %convert_element_type3A_157 = arith.extui %not3A_156 : i1 to i32
      %cond3A_158 = arith.constant 0 : i32
      %cond3A_159 = arith.cmpi ne, %convert_element_type3A_157, %cond3A_158 : i32
      scf.if %cond3A_159 {
        %multiple_of3A_207 = arith.constant 0 : i32
        %multiple_of3A_208 = tpu.assume_multiple %multiple_of3A_207, 8 : i32
        %dma_wait3A_209 = arith.constant 1 : i32
        %dma_wait3A_210 = arith.constant 0 : i32
        %dma_wait3A_211 = arith.constant 0 : i32
        %dma_wait3A_212 = arith.constant 0 : i32
        %dma_wait3A_213 = tpu.memref_slice %arg7[%dma_wait3A_209, %dma_wait3A_210, %dma_wait3A_211, %dma_wait3A_212] : memref<2x8x1x1024xf32, #tpu.memory_space<vmem>> -> memref<1x8x1x1024xf32, #tpu.memory_space<vmem>>
        %dma_wait3A_214 = tpu.memref_squeeze %dma_wait3A_213 : memref<1x8x1x1024xf32, #tpu.memory_space<vmem>> -> memref<8x1x1024xf32, #tpu.memory_space<vmem>>
        %dma_wait3A_215 = arith.constant 0 : i32
        %dma_wait3A_216 = tpu.memref_slice %arg4[%multiple_of3A_208, %add3A, %dma_wait3A_215] : memref<1600x32x1024xf32, #tpu.memory_space<hbm>> -> memref<8x1x1024xf32, #tpu.memory_space<hbm>>
        %dma_wait3A_217 = arith.constant 0 : i32
        %dma_wait3A_218 = arith.constant 0 : i32
        %dma_wait3A_219 = arith.constant 0 : i32
        %dma_wait3A_220 = tpu.memref_slice %arg7[%dma_wait3A_209, %dma_wait3A_217, %dma_wait3A_218, %dma_wait3A_219] : memref<2x8x1x1024xf32, #tpu.memory_space<vmem>> -> memref<1x8x1x1024xf32, #tpu.memory_space<vmem>>
        %dma_wait3A_221 = tpu.memref_squeeze %dma_wait3A_220 : memref<1x8x1x1024xf32, #tpu.memory_space<vmem>> -> memref<8x1x1024xf32, #tpu.memory_space<vmem>>
        %dma_wait3A_222 = arith.constant 0 : i32
        %dma_wait3A_223 = tpu.memref_slice %arg4[%multiple_of3A_208, %add3A, %dma_wait3A_222] : memref<1600x32x1024xf32, #tpu.memory_space<hbm>> -> memref<8x1x1024xf32, #tpu.memory_space<hbm>>
        tpu.wait_dma2 semaphore(%arg11 : memref<!tpu.dma_semaphore, #tpu.memory_space<semaphore_mem>>) src(%dma_wait3A_223 : memref<8x1x1024xf32, #tpu.memory_space<hbm>>) dst(%dma_wait3A_221 : memref<8x1x1024xf32, #tpu.memory_space<vmem>>)
      } else {
      }
      %add3A_160 = arith.constant 0 : i32
      %add3A_161 = vector.broadcast %add3A_160 : i32 to vector<16xi32>
      %add3A_162 = arith.addi %add3A_161, %iota3A : vector<16xi32>
      %add3A_163 = arith.constant 16 : i32
      %add3A_164 = vector.broadcast %add3A_163 : i32 to vector<16xi32>
      %add3A_165 = arith.addi %add3A_164, %iota3A : vector<16xi32>
      %add3A_166 = arith.constant 32 : i32
      %add3A_167 = vector.broadcast %add3A_166 : i32 to vector<16xi32>
      %add3A_168 = arith.addi %add3A_167, %iota3A : vector<16xi32>
      %add3A_169 = arith.constant 48 : i32
      %add3A_170 = vector.broadcast %add3A_169 : i32 to vector<16xi32>
      %add3A_171 = arith.addi %add3A_170, %iota3A : vector<16xi32>
      %add3A_172 = arith.constant 64 : i32
      %add3A_173 = vector.broadcast %add3A_172 : i32 to vector<16xi32>
      %add3A_174 = arith.addi %add3A_173, %iota3A : vector<16xi32>
      %add3A_175 = arith.constant 80 : i32
      %add3A_176 = vector.broadcast %add3A_175 : i32 to vector<16xi32>
      %add3A_177 = arith.addi %add3A_176, %iota3A : vector<16xi32>
      %add3A_178 = arith.constant 96 : i32
      %add3A_179 = vector.broadcast %add3A_178 : i32 to vector<16xi32>
      %add3A_180 = arith.addi %add3A_179, %iota3A : vector<16xi32>
      %add3A_181 = arith.constant 112 : i32
      %add3A_182 = vector.broadcast %add3A_181 : i32 to vector<16xi32>
      %add3A_183 = arith.addi %add3A_182, %iota3A : vector<16xi32>
      %parallel_loop3A_184 = arith.constant 0 : i32
      %parallel_loop3A_185 = arith.constant 64 : i32
      %parallel_loop3A_186 = arith.constant 1 : i32
      %parallel_loop3A_187 = arith.constant 1 : i32
      %parallel_loop3A_188 = arith.constant 1 : i32
      scf.for %parallel_loop3A_207 = %parallel_loop3A_184 to %parallel_loop3A_185 step %parallel_loop3A_186  : i32 {
        %parallel_loop3A_208 = arith.constant 3 : i32
        %parallel_loop3A_209 = arith.shrsi %parallel_loop3A_207, %parallel_loop3A_208 : i32
        %parallel_loop3A_210 = arith.constant 7 : i32
        %parallel_loop3A_211 = arith.andi %parallel_loop3A_207, %parallel_loop3A_210 : i32
        %parallel_loop3A_212 = arith.constant 128 : i32
        %parallel_loop3A_213 = arith.muli %parallel_loop3A_211, %parallel_loop3A_212 : i32
        %parallel_loop3A_214 = vector.broadcast %parallel_loop3A_207 : i32 to vector<16xi32>
        %parallel_loop3A_215 = arith.constant 0 : i32
        %parallel_loop3A_216 = arith.constant 0 : i32
        %parallel_loop3A_217 = tpu.memref_slice %arg6[%parallel_loop3A_187, %parallel_loop3A_215, %parallel_loop3A_216] : memref<2x128x64xf32, #tpu.memory_space<vmem>> -> memref<1x128x64xf32, #tpu.memory_space<vmem>>
        %parallel_loop3A_218 = tpu.memref_squeeze %parallel_loop3A_217 : memref<1x128x64xf32, #tpu.memory_space<vmem>> -> memref<128x64xf32, #tpu.memory_space<vmem>>
        %parallel_loop3A_219 = tpu.vector_load_idx %parallel_loop3A_218[%add3A_162, %parallel_loop3A_214] : memref<128x64xf32, #tpu.memory_space<vmem>>[vector<16xi32>, vector<16xi32>], vector<16xf32>,
        %parallel_loop3A_220 = arith.constant 0 : i32
        %parallel_loop3A_221 = arith.addi %parallel_loop3A_213, %parallel_loop3A_220 : i32
        %parallel_loop3A_222 = arith.constant 0 : i32
        %parallel_loop3A_223 = arith.constant 0 : i32
        %parallel_loop3A_224 = arith.constant 0 : i32
        %parallel_loop3A_225 = arith.constant 0 : i32
        %parallel_loop3A_226 = tpu.memref_slice %arg7[%parallel_loop3A_188, %parallel_loop3A_223, %parallel_loop3A_224, %parallel_loop3A_225] : memref<2x8x1x1024xf32, #tpu.memory_space<vmem>> -> memref<1x8x1x1024xf32, #tpu.memory_space<vmem>>
        %parallel_loop3A_227 = tpu.memref_squeeze %parallel_loop3A_226 : memref<1x8x1x1024xf32, #tpu.memory_space<vmem>> -> memref<8x1x1024xf32, #tpu.memory_space<vmem>>
        %parallel_loop3A_228 = arith.index_cast %parallel_loop3A_209 : i32 to index
        %parallel_loop3A_229 = arith.index_cast %parallel_loop3A_222 : i32 to index
        %parallel_loop3A_230 = arith.index_cast %parallel_loop3A_221 : i32 to index
        %parallel_loop3A_231 = tpu.vector_load %parallel_loop3A_227[%parallel_loop3A_228, %parallel_loop3A_229, %parallel_loop3A_230] {strides = array<i32>} : memref<8x1x1024xf32, #tpu.memory_space<vmem>>, vector<16xf32>,
        tpu.vector_store %parallel_loop3A_227[%parallel_loop3A_228, %parallel_loop3A_229, %parallel_loop3A_230], %parallel_loop3A_219 {strides = array<i32>} : memref<8x1x1024xf32, #tpu.memory_space<vmem>>, vector<16xf32>,
        %parallel_loop3A_232 = arith.constant 0 : i32
        %parallel_loop3A_233 = arith.constant 0 : i32
        %parallel_loop3A_234 = tpu.memref_slice %arg6[%parallel_loop3A_187, %parallel_loop3A_232, %parallel_loop3A_233] : memref<2x128x64xf32, #tpu.memory_space<vmem>> -> memref<1x128x64xf32, #tpu.memory_space<vmem>>
        %parallel_loop3A_235 = tpu.memref_squeeze %parallel_loop3A_234 : memref<1x128x64xf32, #tpu.memory_space<vmem>> -> memref<128x64xf32, #tpu.memory_space<vmem>>
        %parallel_loop3A_236 = tpu.vector_load_idx %parallel_loop3A_235[%add3A_165, %parallel_loop3A_214] : memref<128x64xf32, #tpu.memory_space<vmem>>[vector<16xi32>, vector<16xi32>], vector<16xf32>,
        %parallel_loop3A_237 = arith.constant 16 : i32
        %parallel_loop3A_238 = arith.addi %parallel_loop3A_213, %parallel_loop3A_237 : i32
        %parallel_loop3A_239 = arith.constant 0 : i32
        %parallel_loop3A_240 = arith.constant 0 : i32
        %parallel_loop3A_241 = arith.constant 0 : i32
        %parallel_loop3A_242 = arith.constant 0 : i32
        %parallel_loop3A_243 = tpu.memref_slice %arg7[%parallel_loop3A_188, %parallel_loop3A_240, %parallel_loop3A_241, %parallel_loop3A_242] : memref<2x8x1x1024xf32, #tpu.memory_space<vmem>> -> memref<1x8x1x1024xf32, #tpu.memory_space<vmem>>
        %parallel_loop3A_244 = tpu.memref_squeeze %parallel_loop3A_243 : memref<1x8x1x1024xf32, #tpu.memory_space<vmem>> -> memref<8x1x1024xf32, #tpu.memory_space<vmem>>
        %parallel_loop3A_245 = arith.index_cast %parallel_loop3A_209 : i32 to index
        %parallel_loop3A_246 = arith.index_cast %parallel_loop3A_239 : i32 to index
        %parallel_loop3A_247 = arith.index_cast %parallel_loop3A_238 : i32 to index
        %parallel_loop3A_248 = tpu.vector_load %parallel_loop3A_244[%parallel_loop3A_245, %parallel_loop3A_246, %parallel_loop3A_247] {strides = array<i32>} : memref<8x1x1024xf32, #tpu.memory_space<vmem>>, vector<16xf32>,
        tpu.vector_store %parallel_loop3A_244[%parallel_loop3A_245, %parallel_loop3A_246, %parallel_loop3A_247], %parallel_loop3A_236 {strides = array<i32>} : memref<8x1x1024xf32, #tpu.memory_space<vmem>>, vector<16xf32>,
        %parallel_loop3A_249 = arith.constant 0 : i32
        %parallel_loop3A_250 = arith.constant 0 : i32
        %parallel_loop3A_251 = tpu.memref_slice %arg6[%parallel_loop3A_187, %parallel_loop3A_249, %parallel_loop3A_250] : memref<2x128x64xf32, #tpu.memory_space<vmem>> -> memref<1x128x64xf32, #tpu.memory_space<vmem>>
        %parallel_loop3A_252 = tpu.memref_squeeze %parallel_loop3A_251 : memref<1x128x64xf32, #tpu.memory_space<vmem>> -> memref<128x64xf32, #tpu.memory_space<vmem>>
        %parallel_loop3A_253 = tpu.vector_load_idx %parallel_loop3A_252[%add3A_168, %parallel_loop3A_214] : memref<128x64xf32, #tpu.memory_space<vmem>>[vector<16xi32>, vector<16xi32>], vector<16xf32>,
        %parallel_loop3A_254 = arith.constant 32 : i32
        %parallel_loop3A_255 = arith.addi %parallel_loop3A_213, %parallel_loop3A_254 : i32
        %parallel_loop3A_256 = arith.constant 0 : i32
        %parallel_loop3A_257 = arith.constant 0 : i32
        %parallel_loop3A_258 = arith.constant 0 : i32
        %parallel_loop3A_259 = arith.constant 0 : i32
        %parallel_loop3A_260 = tpu.memref_slice %arg7[%parallel_loop3A_188, %parallel_loop3A_257, %parallel_loop3A_258, %parallel_loop3A_259] : memref<2x8x1x1024xf32, #tpu.memory_space<vmem>> -> memref<1x8x1x1024xf32, #tpu.memory_space<vmem>>
        %parallel_loop3A_261 = tpu.memref_squeeze %parallel_loop3A_260 : memref<1x8x1x1024xf32, #tpu.memory_space<vmem>> -> memref<8x1x1024xf32, #tpu.memory_space<vmem>>
        %parallel_loop3A_262 = arith.index_cast %parallel_loop3A_209 : i32 to index
        %parallel_loop3A_263 = arith.index_cast %parallel_loop3A_256 : i32 to index
        %parallel_loop3A_264 = arith.index_cast %parallel_loop3A_255 : i32 to index
        %parallel_loop3A_265 = tpu.vector_load %parallel_loop3A_261[%parallel_loop3A_262, %parallel_loop3A_263, %parallel_loop3A_264] {strides = array<i32>} : memref<8x1x1024xf32, #tpu.memory_space<vmem>>, vector<16xf32>,
        tpu.vector_store %parallel_loop3A_261[%parallel_loop3A_262, %parallel_loop3A_263, %parallel_loop3A_264], %parallel_loop3A_253 {strides = array<i32>} : memref<8x1x1024xf32, #tpu.memory_space<vmem>>, vector<16xf32>,
        %parallel_loop3A_266 = arith.constant 0 : i32
        %parallel_loop3A_267 = arith.constant 0 : i32
        %parallel_loop3A_268 = tpu.memref_slice %arg6[%parallel_loop3A_187, %parallel_loop3A_266, %parallel_loop3A_267] : memref<2x128x64xf32, #tpu.memory_space<vmem>> -> memref<1x128x64xf32, #tpu.memory_space<vmem>>
        %parallel_loop3A_269 = tpu.memref_squeeze %parallel_loop3A_268 : memref<1x128x64xf32, #tpu.memory_space<vmem>> -> memref<128x64xf32, #tpu.memory_space<vmem>>
        %parallel_loop3A_270 = tpu.vector_load_idx %parallel_loop3A_269[%add3A_171, %parallel_loop3A_214] : memref<128x64xf32, #tpu.memory_space<vmem>>[vector<16xi32>, vector<16xi32>], vector<16xf32>,
        %parallel_loop3A_271 = arith.constant 48 : i32
        %parallel_loop3A_272 = arith.addi %parallel_loop3A_213, %parallel_loop3A_271 : i32
        %parallel_loop3A_273 = arith.constant 0 : i32
        %parallel_loop3A_274 = arith.constant 0 : i32
        %parallel_loop3A_275 = arith.constant 0 : i32
        %parallel_loop3A_276 = arith.constant 0 : i32
        %parallel_loop3A_277 = tpu.memref_slice %arg7[%parallel_loop3A_188, %parallel_loop3A_274, %parallel_loop3A_275, %parallel_loop3A_276] : memref<2x8x1x1024xf32, #tpu.memory_space<vmem>> -> memref<1x8x1x1024xf32, #tpu.memory_space<vmem>>
        %parallel_loop3A_278 = tpu.memref_squeeze %parallel_loop3A_277 : memref<1x8x1x1024xf32, #tpu.memory_space<vmem>> -> memref<8x1x1024xf32, #tpu.memory_space<vmem>>
        %parallel_loop3A_279 = arith.index_cast %parallel_loop3A_209 : i32 to index
        %parallel_loop3A_280 = arith.index_cast %parallel_loop3A_273 : i32 to index
        %parallel_loop3A_281 = arith.index_cast %parallel_loop3A_272 : i32 to index
        %parallel_loop3A_282 = tpu.vector_load %parallel_loop3A_278[%parallel_loop3A_279, %parallel_loop3A_280, %parallel_loop3A_281] {strides = array<i32>} : memref<8x1x1024xf32, #tpu.memory_space<vmem>>, vector<16xf32>,
        tpu.vector_store %parallel_loop3A_278[%parallel_loop3A_279, %parallel_loop3A_280, %parallel_loop3A_281], %parallel_loop3A_270 {strides = array<i32>} : memref<8x1x1024xf32, #tpu.memory_space<vmem>>, vector<16xf32>,
        %parallel_loop3A_283 = arith.constant 0 : i32
        %parallel_loop3A_284 = arith.constant 0 : i32
        %parallel_loop3A_285 = tpu.memref_slice %arg6[%parallel_loop3A_187, %parallel_loop3A_283, %parallel_loop3A_284] : memref<2x128x64xf32, #tpu.memory_space<vmem>> -> memref<1x128x64xf32, #tpu.memory_space<vmem>>
        %parallel_loop3A_286 = tpu.memref_squeeze %parallel_loop3A_285 : memref<1x128x64xf32, #tpu.memory_space<vmem>> -> memref<128x64xf32, #tpu.memory_space<vmem>>
        %parallel_loop3A_287 = tpu.vector_load_idx %parallel_loop3A_286[%add3A_174, %parallel_loop3A_214] : memref<128x64xf32, #tpu.memory_space<vmem>>[vector<16xi32>, vector<16xi32>], vector<16xf32>,
        %parallel_loop3A_288 = arith.constant 64 : i32
        %parallel_loop3A_289 = arith.addi %parallel_loop3A_213, %parallel_loop3A_288 : i32
        %parallel_loop3A_290 = arith.constant 0 : i32
        %parallel_loop3A_291 = arith.constant 0 : i32
        %parallel_loop3A_292 = arith.constant 0 : i32
        %parallel_loop3A_293 = arith.constant 0 : i32
        %parallel_loop3A_294 = tpu.memref_slice %arg7[%parallel_loop3A_188, %parallel_loop3A_291, %parallel_loop3A_292, %parallel_loop3A_293] : memref<2x8x1x1024xf32, #tpu.memory_space<vmem>> -> memref<1x8x1x1024xf32, #tpu.memory_space<vmem>>
        %parallel_loop3A_295 = tpu.memref_squeeze %parallel_loop3A_294 : memref<1x8x1x1024xf32, #tpu.memory_space<vmem>> -> memref<8x1x1024xf32, #tpu.memory_space<vmem>>
        %parallel_loop3A_296 = arith.index_cast %parallel_loop3A_209 : i32 to index
        %parallel_loop3A_297 = arith.index_cast %parallel_loop3A_290 : i32 to index
        %parallel_loop3A_298 = arith.index_cast %parallel_loop3A_289 : i32 to index
        %parallel_loop3A_299 = tpu.vector_load %parallel_loop3A_295[%parallel_loop3A_296, %parallel_loop3A_297, %parallel_loop3A_298] {strides = array<i32>} : memref<8x1x1024xf32, #tpu.memory_space<vmem>>, vector<16xf32>,
        tpu.vector_store %parallel_loop3A_295[%parallel_loop3A_296, %parallel_loop3A_297, %parallel_loop3A_298], %parallel_loop3A_287 {strides = array<i32>} : memref<8x1x1024xf32, #tpu.memory_space<vmem>>, vector<16xf32>,
        %parallel_loop3A_300 = arith.constant 0 : i32
        %parallel_loop3A_301 = arith.constant 0 : i32
        %parallel_loop3A_302 = tpu.memref_slice %arg6[%parallel_loop3A_187, %parallel_loop3A_300, %parallel_loop3A_301] : memref<2x128x64xf32, #tpu.memory_space<vmem>> -> memref<1x128x64xf32, #tpu.memory_space<vmem>>
        %parallel_loop3A_303 = tpu.memref_squeeze %parallel_loop3A_302 : memref<1x128x64xf32, #tpu.memory_space<vmem>> -> memref<128x64xf32, #tpu.memory_space<vmem>>
        %parallel_loop3A_304 = tpu.vector_load_idx %parallel_loop3A_303[%add3A_177, %parallel_loop3A_214] : memref<128x64xf32, #tpu.memory_space<vmem>>[vector<16xi32>, vector<16xi32>], vector<16xf32>,
        %parallel_loop3A_305 = arith.constant 80 : i32
        %parallel_loop3A_306 = arith.addi %parallel_loop3A_213, %parallel_loop3A_305 : i32
        %parallel_loop3A_307 = arith.constant 0 : i32
        %parallel_loop3A_308 = arith.constant 0 : i32
        %parallel_loop3A_309 = arith.constant 0 : i32
        %parallel_loop3A_310 = arith.constant 0 : i32
        %parallel_loop3A_311 = tpu.memref_slice %arg7[%parallel_loop3A_188, %parallel_loop3A_308, %parallel_loop3A_309, %parallel_loop3A_310] : memref<2x8x1x1024xf32, #tpu.memory_space<vmem>> -> memref<1x8x1x1024xf32, #tpu.memory_space<vmem>>
        %parallel_loop3A_312 = tpu.memref_squeeze %parallel_loop3A_311 : memref<1x8x1x1024xf32, #tpu.memory_space<vmem>> -> memref<8x1x1024xf32, #tpu.memory_space<vmem>>
        %parallel_loop3A_313 = arith.index_cast %parallel_loop3A_209 : i32 to index
        %parallel_loop3A_314 = arith.index_cast %parallel_loop3A_307 : i32 to index
        %parallel_loop3A_315 = arith.index_cast %parallel_loop3A_306 : i32 to index
        %parallel_loop3A_316 = tpu.vector_load %parallel_loop3A_312[%parallel_loop3A_313, %parallel_loop3A_314, %parallel_loop3A_315] {strides = array<i32>} : memref<8x1x1024xf32, #tpu.memory_space<vmem>>, vector<16xf32>,
        tpu.vector_store %parallel_loop3A_312[%parallel_loop3A_313, %parallel_loop3A_314, %parallel_loop3A_315], %parallel_loop3A_304 {strides = array<i32>} : memref<8x1x1024xf32, #tpu.memory_space<vmem>>, vector<16xf32>,
        %parallel_loop3A_317 = arith.constant 0 : i32
        %parallel_loop3A_318 = arith.constant 0 : i32
        %parallel_loop3A_319 = tpu.memref_slice %arg6[%parallel_loop3A_187, %parallel_loop3A_317, %parallel_loop3A_318] : memref<2x128x64xf32, #tpu.memory_space<vmem>> -> memref<1x128x64xf32, #tpu.memory_space<vmem>>
        %parallel_loop3A_320 = tpu.memref_squeeze %parallel_loop3A_319 : memref<1x128x64xf32, #tpu.memory_space<vmem>> -> memref<128x64xf32, #tpu.memory_space<vmem>>
        %parallel_loop3A_321 = tpu.vector_load_idx %parallel_loop3A_320[%add3A_180, %parallel_loop3A_214] : memref<128x64xf32, #tpu.memory_space<vmem>>[vector<16xi32>, vector<16xi32>], vector<16xf32>,
        %parallel_loop3A_322 = arith.constant 96 : i32
        %parallel_loop3A_323 = arith.addi %parallel_loop3A_213, %parallel_loop3A_322 : i32
        %parallel_loop3A_324 = arith.constant 0 : i32
        %parallel_loop3A_325 = arith.constant 0 : i32
        %parallel_loop3A_326 = arith.constant 0 : i32
        %parallel_loop3A_327 = arith.constant 0 : i32
        %parallel_loop3A_328 = tpu.memref_slice %arg7[%parallel_loop3A_188, %parallel_loop3A_325, %parallel_loop3A_326, %parallel_loop3A_327] : memref<2x8x1x1024xf32, #tpu.memory_space<vmem>> -> memref<1x8x1x1024xf32, #tpu.memory_space<vmem>>
        %parallel_loop3A_329 = tpu.memref_squeeze %parallel_loop3A_328 : memref<1x8x1x1024xf32, #tpu.memory_space<vmem>> -> memref<8x1x1024xf32, #tpu.memory_space<vmem>>
        %parallel_loop3A_330 = arith.index_cast %parallel_loop3A_209 : i32 to index
        %parallel_loop3A_331 = arith.index_cast %parallel_loop3A_324 : i32 to index
        %parallel_loop3A_332 = arith.index_cast %parallel_loop3A_323 : i32 to index
        %parallel_loop3A_333 = tpu.vector_load %parallel_loop3A_329[%parallel_loop3A_330, %parallel_loop3A_331, %parallel_loop3A_332] {strides = array<i32>} : memref<8x1x1024xf32, #tpu.memory_space<vmem>>, vector<16xf32>,
        tpu.vector_store %parallel_loop3A_329[%parallel_loop3A_330, %parallel_loop3A_331, %parallel_loop3A_332], %parallel_loop3A_321 {strides = array<i32>} : memref<8x1x1024xf32, #tpu.memory_space<vmem>>, vector<16xf32>,
        %parallel_loop3A_334 = arith.constant 0 : i32
        %parallel_loop3A_335 = arith.constant 0 : i32
        %parallel_loop3A_336 = tpu.memref_slice %arg6[%parallel_loop3A_187, %parallel_loop3A_334, %parallel_loop3A_335] : memref<2x128x64xf32, #tpu.memory_space<vmem>> -> memref<1x128x64xf32, #tpu.memory_space<vmem>>
        %parallel_loop3A_337 = tpu.memref_squeeze %parallel_loop3A_336 : memref<1x128x64xf32, #tpu.memory_space<vmem>> -> memref<128x64xf32, #tpu.memory_space<vmem>>
        %parallel_loop3A_338 = tpu.vector_load_idx %parallel_loop3A_337[%add3A_183, %parallel_loop3A_214] : memref<128x64xf32, #tpu.memory_space<vmem>>[vector<16xi32>, vector<16xi32>], vector<16xf32>,
        %parallel_loop3A_339 = arith.constant 112 : i32
        %parallel_loop3A_340 = arith.addi %parallel_loop3A_213, %parallel_loop3A_339 : i32
        %parallel_loop3A_341 = arith.constant 0 : i32
        %parallel_loop3A_342 = arith.constant 0 : i32
        %parallel_loop3A_343 = arith.constant 0 : i32
        %parallel_loop3A_344 = arith.constant 0 : i32
        %parallel_loop3A_345 = tpu.memref_slice %arg7[%parallel_loop3A_188, %parallel_loop3A_342, %parallel_loop3A_343, %parallel_loop3A_344] : memref<2x8x1x1024xf32, #tpu.memory_space<vmem>> -> memref<1x8x1x1024xf32, #tpu.memory_space<vmem>>
        %parallel_loop3A_346 = tpu.memref_squeeze %parallel_loop3A_345 : memref<1x8x1x1024xf32, #tpu.memory_space<vmem>> -> memref<8x1x1024xf32, #tpu.memory_space<vmem>>
        %parallel_loop3A_347 = arith.index_cast %parallel_loop3A_209 : i32 to index
        %parallel_loop3A_348 = arith.index_cast %parallel_loop3A_341 : i32 to index
        %parallel_loop3A_349 = arith.index_cast %parallel_loop3A_340 : i32 to index
        %parallel_loop3A_350 = tpu.vector_load %parallel_loop3A_346[%parallel_loop3A_347, %parallel_loop3A_348, %parallel_loop3A_349] {strides = array<i32>} : memref<8x1x1024xf32, #tpu.memory_space<vmem>>, vector<16xf32>,
        tpu.vector_store %parallel_loop3A_346[%parallel_loop3A_347, %parallel_loop3A_348, %parallel_loop3A_349], %parallel_loop3A_338 {strides = array<i32>} : memref<8x1x1024xf32, #tpu.memory_space<vmem>>, vector<16xf32>,
      } {sc.loop_unroll_factor = 8 : i64, sc.parallel_access}
      %mul3A_189 = arith.constant 8 : i32
      %mul3A_190 = arith.muli %mul3A_189, %add3A_152 : i32
      %multiple_of3A_191 = tpu.assume_multiple %mul3A_190, 8 : i32
      %dma_start3A_192 = arith.constant 1 : i32
      %dma_start3A_193 = arith.constant 0 : i32
      %dma_start3A_194 = arith.constant 0 : i32
      %dma_start3A_195 = arith.constant 0 : i32
      %dma_start3A_196 = tpu.memref_slice %arg7[%dma_start3A_192, %dma_start3A_193, %dma_start3A_194, %dma_start3A_195] : memref<2x8x1x1024xf32, #tpu.memory_space<vmem>> -> memref<1x8x1x1024xf32, #tpu.memory_space<vmem>>
      %dma_start3A_197 = tpu.memref_squeeze %dma_start3A_196 : memref<1x8x1x1024xf32, #tpu.memory_space<vmem>> -> memref<8x1x1024xf32, #tpu.memory_space<vmem>>
      %dma_start3A_198 = arith.constant 0 : i32
      %dma_start3A_199 = tpu.memref_slice %arg4[%multiple_of3A_191, %add3A, %dma_start3A_198] : memref<1600x32x1024xf32, #tpu.memory_space<hbm>> -> memref<8x1x1024xf32, #tpu.memory_space<hbm>>
      %dma_start3A_200 = arith.constant 0 : i32
      %dma_start3A_201 = tpu.memref_slice %arg4[%multiple_of3A_191, %add3A, %dma_start3A_200] : memref<1600x32x1024xf32, #tpu.memory_space<hbm>> -> memref<8x1x1024xf32, #tpu.memory_space<hbm>>
      %dma_start3A_202 = arith.constant 0 : i32
      %dma_start3A_203 = arith.constant 0 : i32
      %dma_start3A_204 = arith.constant 0 : i32
      %dma_start3A_205 = tpu.memref_slice %arg7[%dma_start3A_192, %dma_start3A_202, %dma_start3A_203, %dma_start3A_204] : memref<2x8x1x1024xf32, #tpu.memory_space<vmem>> -> memref<1x8x1x1024xf32, #tpu.memory_space<vmem>>
      %dma_start3A_206 = tpu.memref_squeeze %dma_start3A_205 : memref<1x8x1x1024xf32, #tpu.memory_space<vmem>> -> memref<8x1x1024xf32, #tpu.memory_space<vmem>>
      tpu.enqueue_dma source(%dma_start3A_206 : memref<8x1x1024xf32, #tpu.memory_space<vmem>>) target(%dma_start3A_201 : memref<8x1x1024xf32, #tpu.memory_space<hbm>>) target_semaphore(%arg11 : memref<!tpu.dma_semaphore, #tpu.memory_space<semaphore_mem>>)
    }
    %scan3A_24 = arith.constant 100 : i32
    %multiple_of3A_25 = arith.constant 0 : i32
    %multiple_of3A_26 = tpu.assume_multiple %multiple_of3A_25, 8 : i32
    %dma_wait3A = arith.constant 0 : i32
    %dma_wait3A_27 = arith.constant 0 : i32
    %dma_wait3A_28 = arith.constant 0 : i32
    %dma_wait3A_29 = arith.constant 0 : i32
    %dma_wait3A_30 = tpu.memref_slice %arg7[%dma_wait3A, %dma_wait3A_27, %dma_wait3A_28, %dma_wait3A_29] : memref<2x8x1x1024xf32, #tpu.memory_space<vmem>> -> memref<1x8x1x1024xf32, #tpu.memory_space<vmem>>
    %dma_wait3A_31 = tpu.memref_squeeze %dma_wait3A_30 : memref<1x8x1x1024xf32, #tpu.memory_space<vmem>> -> memref<8x1x1024xf32, #tpu.memory_space<vmem>>
    %dma_wait3A_32 = arith.constant 0 : i32
    %dma_wait3A_33 = tpu.memref_slice %arg4[%multiple_of3A_26, %add3A, %dma_wait3A_32] : memref<1600x32x1024xf32, #tpu.memory_space<hbm>> -> memref<8x1x1024xf32, #tpu.memory_space<hbm>>
    %dma_wait3A_34 = arith.constant 0 : i32
    %dma_wait3A_35 = arith.constant 0 : i32
    %dma_wait3A_36 = arith.constant 0 : i32
    %dma_wait3A_37 = tpu.memref_slice %arg7[%dma_wait3A, %dma_wait3A_34, %dma_wait3A_35, %dma_wait3A_36] : memref<2x8x1x1024xf32, #tpu.memory_space<vmem>> -> memref<1x8x1x1024xf32, #tpu.memory_space<vmem>>
    %dma_wait3A_38 = tpu.memref_squeeze %dma_wait3A_37 : memref<1x8x1x1024xf32, #tpu.memory_space<vmem>> -> memref<8x1x1024xf32, #tpu.memory_space<vmem>>
    %dma_wait3A_39 = arith.constant 0 : i32
    %dma_wait3A_40 = tpu.memref_slice %arg4[%multiple_of3A_26, %add3A, %dma_wait3A_39] : memref<1600x32x1024xf32, #tpu.memory_space<hbm>> -> memref<8x1x1024xf32, #tpu.memory_space<hbm>>
    tpu.wait_dma2 semaphore(%arg10 : memref<!tpu.dma_semaphore, #tpu.memory_space<semaphore_mem>>) src(%dma_wait3A_40 : memref<8x1x1024xf32, #tpu.memory_space<hbm>>) dst(%dma_wait3A_38 : memref<8x1x1024xf32, #tpu.memory_space<vmem>>)
    %multiple_of3A_41 = arith.constant 0 : i32
    %multiple_of3A_42 = tpu.assume_multiple %multiple_of3A_41, 8 : i32
    %dma_wait3A_43 = arith.constant 1 : i32
    %dma_wait3A_44 = arith.constant 0 : i32
    %dma_wait3A_45 = arith.constant 0 : i32
    %dma_wait3A_46 = arith.constant 0 : i32
    %dma_wait3A_47 = tpu.memref_slice %arg7[%dma_wait3A_43, %dma_wait3A_44, %dma_wait3A_45, %dma_wait3A_46] : memref<2x8x1x1024xf32, #tpu.memory_space<vmem>> -> memref<1x8x1x1024xf32, #tpu.memory_space<vmem>>
    %dma_wait3A_48 = tpu.memref_squeeze %dma_wait3A_47 : memref<1x8x1x1024xf32, #tpu.memory_space<vmem>> -> memref<8x1x1024xf32, #tpu.memory_space<vmem>>
    %dma_wait3A_49 = arith.constant 0 : i32
    %dma_wait3A_50 = tpu.memref_slice %arg4[%multiple_of3A_42, %add3A, %dma_wait3A_49] : memref<1600x32x1024xf32, #tpu.memory_space<hbm>> -> memref<8x1x1024xf32, #tpu.memory_space<hbm>>
    %dma_wait3A_51 = arith.constant 0 : i32
    %dma_wait3A_52 = arith.constant 0 : i32
    %dma_wait3A_53 = arith.constant 0 : i32
    %dma_wait3A_54 = tpu.memref_slice %arg7[%dma_wait3A_43, %dma_wait3A_51, %dma_wait3A_52, %dma_wait3A_53] : memref<2x8x1x1024xf32, #tpu.memory_space<vmem>> -> memref<1x8x1x1024xf32, #tpu.memory_space<vmem>>
    %dma_wait3A_55 = tpu.memref_squeeze %dma_wait3A_54 : memref<1x8x1x1024xf32, #tpu.memory_space<vmem>> -> memref<8x1x1024xf32, #tpu.memory_space<vmem>>
    %dma_wait3A_56 = arith.constant 0 : i32
    %dma_wait3A_57 = tpu.memref_slice %arg4[%multiple_of3A_42, %add3A, %dma_wait3A_56] : memref<1600x32x1024xf32, #tpu.memory_space<hbm>> -> memref<8x1x1024xf32, #tpu.memory_space<hbm>>
    tpu.wait_dma2 semaphore(%arg11 : memref<!tpu.dma_semaphore, #tpu.memory_space<semaphore_mem>>) src(%dma_wait3A_57 : memref<8x1x1024xf32, #tpu.memory_space<hbm>>) dst(%dma_wait3A_55 : memref<8x1x1024xf32, #tpu.memory_space<vmem>>)
    return
  }
}

module attributes {stable_mosaic.version = 14 : i64} {
  func.func @body(%arg0: i32, %arg1: memref<64x8192xf32, #tpu.memory_space<vmem>>, %arg2: memref<4096x128xf32, #tpu.memory_space<vmem>>) attributes {dimension_semantics = [#tpu.dimension_semantics<arbitrary>], iteration_bounds = array<i64: 123>, scalar_prefetch = 0 : i64, scratch_operands = 0 : i64, tpu.core_type = #tpu.core_type<tc>, window_params = [{transform_indices = @transform_0, window_bounds = array<i64: 64, 8192>}, {transform_indices = @transform_1, window_bounds = array<i64: 4096, 128>}]} {
    %get3A = arith.constant 0 : index
    %get3A_0 = arith.constant 0 : index
    %get3A_1 = vector.load %arg1[%get3A, %get3A_0] : memref<64x8192xf32, #tpu.memory_space<vmem>>, vector<64x512xf32>
    %transpose3A = tpu.transpose %get3A_1, [1, 0] : vector<64x512xf32> -> vector<512x64xf32>
    %mul3A = arith.constant 8.000000e+00 : f32
    %mul3A_2 = vector.broadcast %mul3A : f32 to vector<512x64xf32>
    %mul3A_3 = arith.mulf %transpose3A, %mul3A_2 : vector<512x64xf32>
    %slice3A = vector.extract_strided_slice %mul3A_3 {offsets = [0, 0], sizes = [256, 64], strides = [1, 1]} : vector<512x64xf32> to vector<256x64xf32>
    %slice3A_4 = vector.extract_strided_slice %mul3A_3 {offsets = [256, 0], sizes = [256, 64], strides = [1, 1]} : vector<512x64xf32> to vector<256x64xf32>
    %concatenate3A = tpu.concatenate %slice3A, %slice3A_4 in 1 : vector<256x64xf32>, vector<256x64xf32> -> vector<256x128xf32>
    %swap3A = arith.constant 0 : index
    %swap3A_5 = arith.constant 0 : index
    %swap3A_6 = vector.load %arg2[%swap3A, %swap3A_5] : memref<4096x128xf32, #tpu.memory_space<vmem>>, vector<256x128xf32>
    tpu.vector_store %arg2[%swap3A, %swap3A_5], %concatenate3A {strides = array<i32>} : memref<4096x128xf32, #tpu.memory_space<vmem>>, vector<256x128xf32>,
    %get3A_7 = arith.constant 0 : index
    %get3A_8 = arith.constant 512 : index
    %get3A_9 = vector.load %arg1[%get3A_7, %get3A_8] : memref<64x8192xf32, #tpu.memory_space<vmem>>, vector<64x512xf32>
    %transpose3A_10 = tpu.transpose %get3A_9, [1, 0] : vector<64x512xf32> -> vector<512x64xf32>
    %mul3A_11 = arith.constant 8.000000e+00 : f32
    %mul3A_12 = vector.broadcast %mul3A_11 : f32 to vector<512x64xf32>
    %mul3A_13 = arith.mulf %transpose3A_10, %mul3A_12 : vector<512x64xf32>
    %slice3A_14 = vector.extract_strided_slice %mul3A_13 {offsets = [0, 0], sizes = [256, 64], strides = [1, 1]} : vector<512x64xf32> to vector<256x64xf32>
    %slice3A_15 = vector.extract_strided_slice %mul3A_13 {offsets = [256, 0], sizes = [256, 64], strides = [1, 1]} : vector<512x64xf32> to vector<256x64xf32>
    %concatenate3A_16 = tpu.concatenate %slice3A_14, %slice3A_15 in 1 : vector<256x64xf32>, vector<256x64xf32> -> vector<256x128xf32>
    %swap3A_17 = arith.constant 256 : index
    %swap3A_18 = arith.constant 0 : index
    %swap3A_19 = vector.load %arg2[%swap3A_17, %swap3A_18] : memref<4096x128xf32, #tpu.memory_space<vmem>>, vector<256x128xf32>
    tpu.vector_store %arg2[%swap3A_17, %swap3A_18], %concatenate3A_16 {strides = array<i32>} : memref<4096x128xf32, #tpu.memory_space<vmem>>, vector<256x128xf32>,
    %get3A_20 = arith.constant 0 : index
    %get3A_21 = arith.constant 1024 : index
    %get3A_22 = vector.load %arg1[%get3A_20, %get3A_21] : memref<64x8192xf32, #tpu.memory_space<vmem>>, vector<64x512xf32>
    %transpose3A_23 = tpu.transpose %get3A_22, [1, 0] : vector<64x512xf32> -> vector<512x64xf32>
    %mul3A_24 = arith.constant 8.000000e+00 : f32
    %mul3A_25 = vector.broadcast %mul3A_24 : f32 to vector<512x64xf32>
    %mul3A_26 = arith.mulf %transpose3A_23, %mul3A_25 : vector<512x64xf32>
    %slice3A_27 = vector.extract_strided_slice %mul3A_26 {offsets = [0, 0], sizes = [256, 64], strides = [1, 1]} : vector<512x64xf32> to vector<256x64xf32>
    %slice3A_28 = vector.extract_strided_slice %mul3A_26 {offsets = [256, 0], sizes = [256, 64], strides = [1, 1]} : vector<512x64xf32> to vector<256x64xf32>
    %concatenate3A_29 = tpu.concatenate %slice3A_27, %slice3A_28 in 1 : vector<256x64xf32>, vector<256x64xf32> -> vector<256x128xf32>
    %swap3A_30 = arith.constant 512 : index
    %swap3A_31 = arith.constant 0 : index
    %swap3A_32 = vector.load %arg2[%swap3A_30, %swap3A_31] : memref<4096x128xf32, #tpu.memory_space<vmem>>, vector<256x128xf32>
    tpu.vector_store %arg2[%swap3A_30, %swap3A_31], %concatenate3A_29 {strides = array<i32>} : memref<4096x128xf32, #tpu.memory_space<vmem>>, vector<256x128xf32>,
    %get3A_33 = arith.constant 0 : index
    %get3A_34 = arith.constant 1536 : index
    %get3A_35 = vector.load %arg1[%get3A_33, %get3A_34] : memref<64x8192xf32, #tpu.memory_space<vmem>>, vector<64x512xf32>
    %transpose3A_36 = tpu.transpose %get3A_35, [1, 0] : vector<64x512xf32> -> vector<512x64xf32>
    %mul3A_37 = arith.constant 8.000000e+00 : f32
    %mul3A_38 = vector.broadcast %mul3A_37 : f32 to vector<512x64xf32>
    %mul3A_39 = arith.mulf %transpose3A_36, %mul3A_38 : vector<512x64xf32>
    %slice3A_40 = vector.extract_strided_slice %mul3A_39 {offsets = [0, 0], sizes = [256, 64], strides = [1, 1]} : vector<512x64xf32> to vector<256x64xf32>
    %slice3A_41 = vector.extract_strided_slice %mul3A_39 {offsets = [256, 0], sizes = [256, 64], strides = [1, 1]} : vector<512x64xf32> to vector<256x64xf32>
    %concatenate3A_42 = tpu.concatenate %slice3A_40, %slice3A_41 in 1 : vector<256x64xf32>, vector<256x64xf32> -> vector<256x128xf32>
    %swap3A_43 = arith.constant 768 : index
    %swap3A_44 = arith.constant 0 : index
    %swap3A_45 = vector.load %arg2[%swap3A_43, %swap3A_44] : memref<4096x128xf32, #tpu.memory_space<vmem>>, vector<256x128xf32>
    tpu.vector_store %arg2[%swap3A_43, %swap3A_44], %concatenate3A_42 {strides = array<i32>} : memref<4096x128xf32, #tpu.memory_space<vmem>>, vector<256x128xf32>,
    %get3A_46 = arith.constant 0 : index
    %get3A_47 = arith.constant 2048 : index
    %get3A_48 = vector.load %arg1[%get3A_46, %get3A_47] : memref<64x8192xf32, #tpu.memory_space<vmem>>, vector<64x512xf32>
    %transpose3A_49 = tpu.transpose %get3A_48, [1, 0] : vector<64x512xf32> -> vector<512x64xf32>
    %mul3A_50 = arith.constant 8.000000e+00 : f32
    %mul3A_51 = vector.broadcast %mul3A_50 : f32 to vector<512x64xf32>
    %mul3A_52 = arith.mulf %transpose3A_49, %mul3A_51 : vector<512x64xf32>
    %slice3A_53 = vector.extract_strided_slice %mul3A_52 {offsets = [0, 0], sizes = [256, 64], strides = [1, 1]} : vector<512x64xf32> to vector<256x64xf32>
    %slice3A_54 = vector.extract_strided_slice %mul3A_52 {offsets = [256, 0], sizes = [256, 64], strides = [1, 1]} : vector<512x64xf32> to vector<256x64xf32>
    %concatenate3A_55 = tpu.concatenate %slice3A_53, %slice3A_54 in 1 : vector<256x64xf32>, vector<256x64xf32> -> vector<256x128xf32>
    %swap3A_56 = arith.constant 1024 : index
    %swap3A_57 = arith.constant 0 : index
    %swap3A_58 = vector.load %arg2[%swap3A_56, %swap3A_57] : memref<4096x128xf32, #tpu.memory_space<vmem>>, vector<256x128xf32>
    tpu.vector_store %arg2[%swap3A_56, %swap3A_57], %concatenate3A_55 {strides = array<i32>} : memref<4096x128xf32, #tpu.memory_space<vmem>>, vector<256x128xf32>,
    %get3A_59 = arith.constant 0 : index
    %get3A_60 = arith.constant 2560 : index
    %get3A_61 = vector.load %arg1[%get3A_59, %get3A_60] : memref<64x8192xf32, #tpu.memory_space<vmem>>, vector<64x512xf32>
    %transpose3A_62 = tpu.transpose %get3A_61, [1, 0] : vector<64x512xf32> -> vector<512x64xf32>
    %mul3A_63 = arith.constant 8.000000e+00 : f32
    %mul3A_64 = vector.broadcast %mul3A_63 : f32 to vector<512x64xf32>
    %mul3A_65 = arith.mulf %transpose3A_62, %mul3A_64 : vector<512x64xf32>
    %slice3A_66 = vector.extract_strided_slice %mul3A_65 {offsets = [0, 0], sizes = [256, 64], strides = [1, 1]} : vector<512x64xf32> to vector<256x64xf32>
    %slice3A_67 = vector.extract_strided_slice %mul3A_65 {offsets = [256, 0], sizes = [256, 64], strides = [1, 1]} : vector<512x64xf32> to vector<256x64xf32>
    %concatenate3A_68 = tpu.concatenate %slice3A_66, %slice3A_67 in 1 : vector<256x64xf32>, vector<256x64xf32> -> vector<256x128xf32>
    %swap3A_69 = arith.constant 1280 : index
    %swap3A_70 = arith.constant 0 : index
    %swap3A_71 = vector.load %arg2[%swap3A_69, %swap3A_70] : memref<4096x128xf32, #tpu.memory_space<vmem>>, vector<256x128xf32>
    tpu.vector_store %arg2[%swap3A_69, %swap3A_70], %concatenate3A_68 {strides = array<i32>} : memref<4096x128xf32, #tpu.memory_space<vmem>>, vector<256x128xf32>,
    %get3A_72 = arith.constant 0 : index
    %get3A_73 = arith.constant 3072 : index
    %get3A_74 = vector.load %arg1[%get3A_72, %get3A_73] : memref<64x8192xf32, #tpu.memory_space<vmem>>, vector<64x512xf32>
    %transpose3A_75 = tpu.transpose %get3A_74, [1, 0] : vector<64x512xf32> -> vector<512x64xf32>
    %mul3A_76 = arith.constant 8.000000e+00 : f32
    %mul3A_77 = vector.broadcast %mul3A_76 : f32 to vector<512x64xf32>
    %mul3A_78 = arith.mulf %transpose3A_75, %mul3A_77 : vector<512x64xf32>
    %slice3A_79 = vector.extract_strided_slice %mul3A_78 {offsets = [0, 0], sizes = [256, 64], strides = [1, 1]} : vector<512x64xf32> to vector<256x64xf32>
    %slice3A_80 = vector.extract_strided_slice %mul3A_78 {offsets = [256, 0], sizes = [256, 64], strides = [1, 1]} : vector<512x64xf32> to vector<256x64xf32>
    %concatenate3A_81 = tpu.concatenate %slice3A_79, %slice3A_80 in 1 : vector<256x64xf32>, vector<256x64xf32> -> vector<256x128xf32>
    %swap3A_82 = arith.constant 1536 : index
    %swap3A_83 = arith.constant 0 : index
    %swap3A_84 = vector.load %arg2[%swap3A_82, %swap3A_83] : memref<4096x128xf32, #tpu.memory_space<vmem>>, vector<256x128xf32>
    tpu.vector_store %arg2[%swap3A_82, %swap3A_83], %concatenate3A_81 {strides = array<i32>} : memref<4096x128xf32, #tpu.memory_space<vmem>>, vector<256x128xf32>,
    %get3A_85 = arith.constant 0 : index
    %get3A_86 = arith.constant 3584 : index
    %get3A_87 = vector.load %arg1[%get3A_85, %get3A_86] : memref<64x8192xf32, #tpu.memory_space<vmem>>, vector<64x512xf32>
    %transpose3A_88 = tpu.transpose %get3A_87, [1, 0] : vector<64x512xf32> -> vector<512x64xf32>
    %mul3A_89 = arith.constant 8.000000e+00 : f32
    %mul3A_90 = vector.broadcast %mul3A_89 : f32 to vector<512x64xf32>
    %mul3A_91 = arith.mulf %transpose3A_88, %mul3A_90 : vector<512x64xf32>
    %slice3A_92 = vector.extract_strided_slice %mul3A_91 {offsets = [0, 0], sizes = [256, 64], strides = [1, 1]} : vector<512x64xf32> to vector<256x64xf32>
    %slice3A_93 = vector.extract_strided_slice %mul3A_91 {offsets = [256, 0], sizes = [256, 64], strides = [1, 1]} : vector<512x64xf32> to vector<256x64xf32>
    %concatenate3A_94 = tpu.concatenate %slice3A_92, %slice3A_93 in 1 : vector<256x64xf32>, vector<256x64xf32> -> vector<256x128xf32>
    %swap3A_95 = arith.constant 1792 : index
    %swap3A_96 = arith.constant 0 : index
    %swap3A_97 = vector.load %arg2[%swap3A_95, %swap3A_96] : memref<4096x128xf32, #tpu.memory_space<vmem>>, vector<256x128xf32>
    tpu.vector_store %arg2[%swap3A_95, %swap3A_96], %concatenate3A_94 {strides = array<i32>} : memref<4096x128xf32, #tpu.memory_space<vmem>>, vector<256x128xf32>,
    %get3A_98 = arith.constant 0 : index
    %get3A_99 = arith.constant 4096 : index
    %get3A_100 = vector.load %arg1[%get3A_98, %get3A_99] : memref<64x8192xf32, #tpu.memory_space<vmem>>, vector<64x512xf32>
    %transpose3A_101 = tpu.transpose %get3A_100, [1, 0] : vector<64x512xf32> -> vector<512x64xf32>
    %mul3A_102 = arith.constant 8.000000e+00 : f32
    %mul3A_103 = vector.broadcast %mul3A_102 : f32 to vector<512x64xf32>
    %mul3A_104 = arith.mulf %transpose3A_101, %mul3A_103 : vector<512x64xf32>
    %slice3A_105 = vector.extract_strided_slice %mul3A_104 {offsets = [0, 0], sizes = [256, 64], strides = [1, 1]} : vector<512x64xf32> to vector<256x64xf32>
    %slice3A_106 = vector.extract_strided_slice %mul3A_104 {offsets = [256, 0], sizes = [256, 64], strides = [1, 1]} : vector<512x64xf32> to vector<256x64xf32>
    %concatenate3A_107 = tpu.concatenate %slice3A_105, %slice3A_106 in 1 : vector<256x64xf32>, vector<256x64xf32> -> vector<256x128xf32>
    %swap3A_108 = arith.constant 2048 : index
    %swap3A_109 = arith.constant 0 : index
    %swap3A_110 = vector.load %arg2[%swap3A_108, %swap3A_109] : memref<4096x128xf32, #tpu.memory_space<vmem>>, vector<256x128xf32>
    tpu.vector_store %arg2[%swap3A_108, %swap3A_109], %concatenate3A_107 {strides = array<i32>} : memref<4096x128xf32, #tpu.memory_space<vmem>>, vector<256x128xf32>,
    %get3A_111 = arith.constant 0 : index
    %get3A_112 = arith.constant 4608 : index
    %get3A_113 = vector.load %arg1[%get3A_111, %get3A_112] : memref<64x8192xf32, #tpu.memory_space<vmem>>, vector<64x512xf32>
    %transpose3A_114 = tpu.transpose %get3A_113, [1, 0] : vector<64x512xf32> -> vector<512x64xf32>
    %mul3A_115 = arith.constant 8.000000e+00 : f32
    %mul3A_116 = vector.broadcast %mul3A_115 : f32 to vector<512x64xf32>
    %mul3A_117 = arith.mulf %transpose3A_114, %mul3A_116 : vector<512x64xf32>
    %slice3A_118 = vector.extract_strided_slice %mul3A_117 {offsets = [0, 0], sizes = [256, 64], strides = [1, 1]} : vector<512x64xf32> to vector<256x64xf32>
    %slice3A_119 = vector.extract_strided_slice %mul3A_117 {offsets = [256, 0], sizes = [256, 64], strides = [1, 1]} : vector<512x64xf32> to vector<256x64xf32>
    %concatenate3A_120 = tpu.concatenate %slice3A_118, %slice3A_119 in 1 : vector<256x64xf32>, vector<256x64xf32> -> vector<256x128xf32>
    %swap3A_121 = arith.constant 2304 : index
    %swap3A_122 = arith.constant 0 : index
    %swap3A_123 = vector.load %arg2[%swap3A_121, %swap3A_122] : memref<4096x128xf32, #tpu.memory_space<vmem>>, vector<256x128xf32>
    tpu.vector_store %arg2[%swap3A_121, %swap3A_122], %concatenate3A_120 {strides = array<i32>} : memref<4096x128xf32, #tpu.memory_space<vmem>>, vector<256x128xf32>,
    %get3A_124 = arith.constant 0 : index
    %get3A_125 = arith.constant 5120 : index
    %get3A_126 = vector.load %arg1[%get3A_124, %get3A_125] : memref<64x8192xf32, #tpu.memory_space<vmem>>, vector<64x512xf32>
    %transpose3A_127 = tpu.transpose %get3A_126, [1, 0] : vector<64x512xf32> -> vector<512x64xf32>
    %mul3A_128 = arith.constant 8.000000e+00 : f32
    %mul3A_129 = vector.broadcast %mul3A_128 : f32 to vector<512x64xf32>
    %mul3A_130 = arith.mulf %transpose3A_127, %mul3A_129 : vector<512x64xf32>
    %slice3A_131 = vector.extract_strided_slice %mul3A_130 {offsets = [0, 0], sizes = [256, 64], strides = [1, 1]} : vector<512x64xf32> to vector<256x64xf32>
    %slice3A_132 = vector.extract_strided_slice %mul3A_130 {offsets = [256, 0], sizes = [256, 64], strides = [1, 1]} : vector<512x64xf32> to vector<256x64xf32>
    %concatenate3A_133 = tpu.concatenate %slice3A_131, %slice3A_132 in 1 : vector<256x64xf32>, vector<256x64xf32> -> vector<256x128xf32>
    %swap3A_134 = arith.constant 2560 : index
    %swap3A_135 = arith.constant 0 : index
    %swap3A_136 = vector.load %arg2[%swap3A_134, %swap3A_135] : memref<4096x128xf32, #tpu.memory_space<vmem>>, vector<256x128xf32>
    tpu.vector_store %arg2[%swap3A_134, %swap3A_135], %concatenate3A_133 {strides = array<i32>} : memref<4096x128xf32, #tpu.memory_space<vmem>>, vector<256x128xf32>,
    %get3A_137 = arith.constant 0 : index
    %get3A_138 = arith.constant 5632 : index
    %get3A_139 = vector.load %arg1[%get3A_137, %get3A_138] : memref<64x8192xf32, #tpu.memory_space<vmem>>, vector<64x512xf32>
    %transpose3A_140 = tpu.transpose %get3A_139, [1, 0] : vector<64x512xf32> -> vector<512x64xf32>
    %mul3A_141 = arith.constant 8.000000e+00 : f32
    %mul3A_142 = vector.broadcast %mul3A_141 : f32 to vector<512x64xf32>
    %mul3A_143 = arith.mulf %transpose3A_140, %mul3A_142 : vector<512x64xf32>
    %slice3A_144 = vector.extract_strided_slice %mul3A_143 {offsets = [0, 0], sizes = [256, 64], strides = [1, 1]} : vector<512x64xf32> to vector<256x64xf32>
    %slice3A_145 = vector.extract_strided_slice %mul3A_143 {offsets = [256, 0], sizes = [256, 64], strides = [1, 1]} : vector<512x64xf32> to vector<256x64xf32>
    %concatenate3A_146 = tpu.concatenate %slice3A_144, %slice3A_145 in 1 : vector<256x64xf32>, vector<256x64xf32> -> vector<256x128xf32>
    %swap3A_147 = arith.constant 2816 : index
    %swap3A_148 = arith.constant 0 : index
    %swap3A_149 = vector.load %arg2[%swap3A_147, %swap3A_148] : memref<4096x128xf32, #tpu.memory_space<vmem>>, vector<256x128xf32>
    tpu.vector_store %arg2[%swap3A_147, %swap3A_148], %concatenate3A_146 {strides = array<i32>} : memref<4096x128xf32, #tpu.memory_space<vmem>>, vector<256x128xf32>,
    %get3A_150 = arith.constant 0 : index
    %get3A_151 = arith.constant 6144 : index
    %get3A_152 = vector.load %arg1[%get3A_150, %get3A_151] : memref<64x8192xf32, #tpu.memory_space<vmem>>, vector<64x512xf32>
    %transpose3A_153 = tpu.transpose %get3A_152, [1, 0] : vector<64x512xf32> -> vector<512x64xf32>
    %mul3A_154 = arith.constant 8.000000e+00 : f32
    %mul3A_155 = vector.broadcast %mul3A_154 : f32 to vector<512x64xf32>
    %mul3A_156 = arith.mulf %transpose3A_153, %mul3A_155 : vector<512x64xf32>
    %slice3A_157 = vector.extract_strided_slice %mul3A_156 {offsets = [0, 0], sizes = [256, 64], strides = [1, 1]} : vector<512x64xf32> to vector<256x64xf32>
    %slice3A_158 = vector.extract_strided_slice %mul3A_156 {offsets = [256, 0], sizes = [256, 64], strides = [1, 1]} : vector<512x64xf32> to vector<256x64xf32>
    %concatenate3A_159 = tpu.concatenate %slice3A_157, %slice3A_158 in 1 : vector<256x64xf32>, vector<256x64xf32> -> vector<256x128xf32>
    %swap3A_160 = arith.constant 3072 : index
    %swap3A_161 = arith.constant 0 : index
    %swap3A_162 = vector.load %arg2[%swap3A_160, %swap3A_161] : memref<4096x128xf32, #tpu.memory_space<vmem>>, vector<256x128xf32>
    tpu.vector_store %arg2[%swap3A_160, %swap3A_161], %concatenate3A_159 {strides = array<i32>} : memref<4096x128xf32, #tpu.memory_space<vmem>>, vector<256x128xf32>,
    %get3A_163 = arith.constant 0 : index
    %get3A_164 = arith.constant 6656 : index
    %get3A_165 = vector.load %arg1[%get3A_163, %get3A_164] : memref<64x8192xf32, #tpu.memory_space<vmem>>, vector<64x512xf32>
    %transpose3A_166 = tpu.transpose %get3A_165, [1, 0] : vector<64x512xf32> -> vector<512x64xf32>
    %mul3A_167 = arith.constant 8.000000e+00 : f32
    %mul3A_168 = vector.broadcast %mul3A_167 : f32 to vector<512x64xf32>
    %mul3A_169 = arith.mulf %transpose3A_166, %mul3A_168 : vector<512x64xf32>
    %slice3A_170 = vector.extract_strided_slice %mul3A_169 {offsets = [0, 0], sizes = [256, 64], strides = [1, 1]} : vector<512x64xf32> to vector<256x64xf32>
    %slice3A_171 = vector.extract_strided_slice %mul3A_169 {offsets = [256, 0], sizes = [256, 64], strides = [1, 1]} : vector<512x64xf32> to vector<256x64xf32>
    %concatenate3A_172 = tpu.concatenate %slice3A_170, %slice3A_171 in 1 : vector<256x64xf32>, vector<256x64xf32> -> vector<256x128xf32>
    %swap3A_173 = arith.constant 3328 : index
    %swap3A_174 = arith.constant 0 : index
    %swap3A_175 = vector.load %arg2[%swap3A_173, %swap3A_174] : memref<4096x128xf32, #tpu.memory_space<vmem>>, vector<256x128xf32>
    tpu.vector_store %arg2[%swap3A_173, %swap3A_174], %concatenate3A_172 {strides = array<i32>} : memref<4096x128xf32, #tpu.memory_space<vmem>>, vector<256x128xf32>,
    %get3A_176 = arith.constant 0 : index
    %get3A_177 = arith.constant 7168 : index
    %get3A_178 = vector.load %arg1[%get3A_176, %get3A_177] : memref<64x8192xf32, #tpu.memory_space<vmem>>, vector<64x512xf32>
    %transpose3A_179 = tpu.transpose %get3A_178, [1, 0] : vector<64x512xf32> -> vector<512x64xf32>
    %mul3A_180 = arith.constant 8.000000e+00 : f32
    %mul3A_181 = vector.broadcast %mul3A_180 : f32 to vector<512x64xf32>
    %mul3A_182 = arith.mulf %transpose3A_179, %mul3A_181 : vector<512x64xf32>
    %slice3A_183 = vector.extract_strided_slice %mul3A_182 {offsets = [0, 0], sizes = [256, 64], strides = [1, 1]} : vector<512x64xf32> to vector<256x64xf32>
    %slice3A_184 = vector.extract_strided_slice %mul3A_182 {offsets = [256, 0], sizes = [256, 64], strides = [1, 1]} : vector<512x64xf32> to vector<256x64xf32>
    %concatenate3A_185 = tpu.concatenate %slice3A_183, %slice3A_184 in 1 : vector<256x64xf32>, vector<256x64xf32> -> vector<256x128xf32>
    %swap3A_186 = arith.constant 3584 : index
    %swap3A_187 = arith.constant 0 : index
    %swap3A_188 = vector.load %arg2[%swap3A_186, %swap3A_187] : memref<4096x128xf32, #tpu.memory_space<vmem>>, vector<256x128xf32>
    tpu.vector_store %arg2[%swap3A_186, %swap3A_187], %concatenate3A_185 {strides = array<i32>} : memref<4096x128xf32, #tpu.memory_space<vmem>>, vector<256x128xf32>,
    %get3A_189 = arith.constant 0 : index
    %get3A_190 = arith.constant 7680 : index
    %get3A_191 = vector.load %arg1[%get3A_189, %get3A_190] : memref<64x8192xf32, #tpu.memory_space<vmem>>, vector<64x512xf32>
    %transpose3A_192 = tpu.transpose %get3A_191, [1, 0] : vector<64x512xf32> -> vector<512x64xf32>
    %mul3A_193 = arith.constant 8.000000e+00 : f32
    %mul3A_194 = vector.broadcast %mul3A_193 : f32 to vector<512x64xf32>
    %mul3A_195 = arith.mulf %transpose3A_192, %mul3A_194 : vector<512x64xf32>
    %slice3A_196 = vector.extract_strided_slice %mul3A_195 {offsets = [0, 0], sizes = [256, 64], strides = [1, 1]} : vector<512x64xf32> to vector<256x64xf32>
    %slice3A_197 = vector.extract_strided_slice %mul3A_195 {offsets = [256, 0], sizes = [256, 64], strides = [1, 1]} : vector<512x64xf32> to vector<256x64xf32>
    %concatenate3A_198 = tpu.concatenate %slice3A_196, %slice3A_197 in 1 : vector<256x64xf32>, vector<256x64xf32> -> vector<256x128xf32>
    %swap3A_199 = arith.constant 3840 : index
    %swap3A_200 = arith.constant 0 : index
    %swap3A_201 = vector.load %arg2[%swap3A_199, %swap3A_200] : memref<4096x128xf32, #tpu.memory_space<vmem>>, vector<256x128xf32>
    tpu.vector_store %arg2[%swap3A_199, %swap3A_200], %concatenate3A_198 {strides = array<i32>} : memref<4096x128xf32, #tpu.memory_space<vmem>>, vector<256x128xf32>,
    return
  }
  func.func @transform_0(%arg0: i32) -> (i32, i32) {
    %c0_i32 = arith.constant 0 : i32
    %c0_i32_0 = arith.constant 0 : i32
    return %c0_i32, %arg0 : i32, i32
  }
  func.func @transform_1(%arg0: i32) -> (i32, i32) {
    %c0_i32 = arith.constant 0 : i32
    %c0_i32_0 = arith.constant 0 : i32
    return %arg0, %c0_i32 : i32, i32
  }
}

</mosaic_0001>

<sc_bundles>
// kernel: kernel.4.cloned.1.call-start
scs
__scs_entry_jumppad:
0x0: {  	(pc) =	sbr.rel $0x88, $3  }
0x1: {  	(tag) =	ssettag $0x0;
	lr =	simm.s32 $0x1  }
0x2: {  	[smem:$0x3F9F] =	sst lr;
	_ =	strace $0xD0000000  }
0x3: {  	_ = 	snop  }
0x4: {  	_ = 	snop  }
0x5: {  	_ = 	snop  }
0x6: {  	_ = 	snop  }
0x7: {  	_ = 	snop  }
__scs_overlays_trampoline_lowered:
0x8: {  	[smem:$0x3FAE] =	sst s0  }
0x9: {  	[smem:$0x3FAF] =	sst s1  }
0xa: {  	[smem:$0x3FB0] =	sst s2  }
0xb: {  	[smem:$0x3FB1] =	sst s3  }
0xc: {  	[smem:$0x3FB2] =	sst s4  }
0xd: {  	[smem:$0x3FB3] =	sst s5  }
0xe: {  	[smem:$0x3FB4] =	sst s6  }
0xf: {  	[smem:$0x3FB5] =	sst s7  }
0x10: {  	[smem:$0x3FB6] =	sst s8  }
0x11: {  	[smem:$0x3FB7] =	sst s9;
	s0 =	simm.s32 @!p0 $0x0  }
0x12: {  	s1 =	sld [smem:$0x3F9D];
	s0 =	simm.s32 @p0 $0x1  }
0x13: {  	[smem:$0x3FB8] =	sst s0;
	s0 =	simm.s32 @!p1 $0x0  }
0x14: {  	s2 =	sld [smem:$0x3F9C];
	s0 =	simm.s32 @p1 $0x1  }
0x15: {  	[smem:$0x3FB9] =	sst s0;
	s0 =	simm.s32 @!p2 $0x0  }
0x16: {  	s3 =	sld [smem:$0x3FDB];
	s0 =	simm.s32 @p2 $0x1  }
0x17: {  	s4 =	simm.s32 $0x1BF5;
	[smem:$0x3FBB] =	sst s0  }
0x18: {  	s0 =	sld [smem:$0x3F9E];
	_ =	swait.ge [sflag:s4], $0x0  }
0x19: {  	s7 =	sld [smem:$0x3F9F]  }
0x1a: {  	s8 =	sadd.s32 $0xFFFFE003, lr  }
0x1b: {  	s9 =	sadd.s32 $0xFFFFFEF7, lr;
	s5 =	simm.s32 $0xFFFFFFFF;
	p2 =	slt.u32 s8, $0xFFFFF086  }
0x1c: {  	p1 =	slt.u32 s9, $0xF7A;
	s5 =	simm.s32 @!p2 $0x0  }
0x1d: {  	s5 =	simm.s32 @p1 $0x1;
	p0 =	seq.s32 s7, s2  }
0x1e: {  	s7 =	smul.u32 @!p0 $0xF7A, s2;
	p2 =	seq.s32 @!p0 s5, $0x0  }
0x1f: {  	s9 =	smul.u32 $0xF7A, s1;
	s8 =	simm.s32 @!p0 $0x1BF5;
	p2 =	por !p2, p0  }
0x20: {  	[sflag:s8] =	ssyncset.s32 @!p0 $0xFFFFF086;
	s6 =	sadd.s32 @!p0 s3, s7;
	s7 =	simm.s32 @!p0 $0x108  }
0x21: {  	s3 =	sadd.s32 s3, s9;
	s6 =	sadd.s32 @!p0 $0x88, s6;
	s7 =	simm.s32 @p2 $0x1082  }
0x22: {  	[simem:s7], [sflag:s8] =	dma.local @!p0 [hbm:s6], $0xF7A  }
0x23: {  	s9 =	sor.u32 $0xD0000000, s2;
	s6 =	simm.s32 $0x108;
	_ =	swait.ge @!p0 [sflag:s8], $0x0  }
0x24: {  	s3 =	sadd.s32 $0x88, s3;
	s6 =	simm.s32 @!p1 $0x1082;
	[sflag:s4] =	ssyncset.s32 $0xFFFFF086  }
0x25: {  	[simem:s6], [sflag:s4] =	dma.local [hbm:s3], $0xF7A  }
0x26: {  	[smem:$0x3F9F] =	sst s1;
	(tag) =	ssettag s2;
	_ =	strace s9  }
0x27: {  	s1 =	sld [smem:$0x3FAF]  }
0x28: {  	s2 =	sld [smem:$0x3FB0]  }
0x29: {  	s4 =	sld [smem:$0x3FB2]  }
0x2a: {  	p0 =	seq.s32 s5, $0x0;
	s5 =	sld [smem:$0x3FB3]  }
0x2b: {  	s6 =	sld [smem:$0x3FB4]  }
0x2c: {  	s7 =	sld [smem:$0x3FB5]  }
0x2d: {  	s3 =	simm.s32 $0x108;
	s8 =	sld [smem:$0x3FB6]  }
0x2e: {  	s3 =	simm.s32 @!p0 $0x1082;
	s9 =	sld [smem:$0x3FB7]  }
0x2f: {  	lr =	sadd.s32 s0, s3;
	s0 =	sld [smem:$0x3FAE]  }
0x30: {  	s3 =	sld [smem:$0x3FB1]  }
0x31: {  	[smem:$0x3FBA] =	sst s10  }
0x32: {  	s10 =	sld [smem:$0x3FB8];
	_ =	sdelay $0x3  }
0x33: {  	p0 =	seq.s32 s10, $0x1;
	s10 =	sld [smem:$0x3FBA];
	_ =	sdelay $0x3  }
0x34: {  	[smem:$0x3FBA] =	sst s10  }
0x35: {  	s10 =	sld [smem:$0x3FB9];
	_ =	sdelay $0x3  }
0x36: {  	p1 =	seq.s32 s10, $0x1;
	s10 =	sld [smem:$0x3FBA];
	_ =	sdelay $0x3  }
0x37: {  	[smem:$0x3FBA] =	sst s10  }
0x38: {  	s10 =	sld [smem:$0x3FBB]  }
0x39: {  	_ = 	snop;
	(pc) =	sbr.ind lr, $3  }
0x3a: {  	_ = 	snop  }
0x3b: {  	_ = 	snop  }
0x3c: {  	p2 =	seq.s32 s10, $0x1;
	s10 =	sld [smem:$0x3FBA]  }
0x3d: {  	_ =	shalt  }
0x3e: {  	_ =	shalt  }
0x3f: {  	_ =	shalt  }
0x40: {  	_ =	shalt  }
0x41: {  	_ =	shalt  }
0x42: {  	_ =	shalt  }
0x43: {  	_ =	shalt  }
0x44: {  	_ =	shalt  }
0x45: {  	_ =	shalt  }
0x46: {  	_ =	shalt  }
0x47: {  	_ =	shalt  }
0x48: {  	_ =	shalt  }
0x49: {  	_ =	shalt  }
0x4a: {  	_ =	shalt  }
0x4b: {  	_ =	shalt  }
0x4c: {  	_ =	shalt  }
0x4d: {  	_ =	shalt  }
0x4e: {  	_ =	shalt  }
0x4f: {  	_ =	shalt  }
0x50: {  	_ =	shalt  }
0x51: {  	_ =	shalt  }
0x52: {  	_ =	shalt  }
0x53: {  	_ =	shalt  }
0x54: {  	_ =	shalt  }
0x55: {  	_ =	shalt  }
0x56: {  	_ =	shalt  }
0x57: {  	_ =	shalt  }
0x58: {  	_ =	shalt  }
0x59: {  	_ =	shalt  }
0x5a: {  	_ =	shalt  }
0x5b: {  	_ =	shalt  }
0x5c: {  	_ =	shalt  }
0x5d: {  	_ =	shalt  }
0x5e: {  	_ =	shalt  }
0x5f: {  	_ =	shalt  }
0x60: {  	_ =	shalt  }
0x61: {  	_ =	shalt  }
0x62: {  	_ =	shalt  }
0x63: {  	_ =	shalt  }
0x64: {  	_ =	shalt  }
0x65: {  	_ =	shalt  }
0x66: {  	_ =	shalt  }
0x67: {  	_ =	shalt  }
0x68: {  	_ =	shalt  }
0x69: {  	_ =	shalt  }
0x6a: {  	_ =	shalt  }
0x6b: {  	_ =	shalt  }
0x6c: {  	_ =	shalt  }
0x6d: {  	_ =	shalt  }
0x6e: {  	_ =	shalt  }
0x6f: {  	_ =	shalt  }
0x70: {  	_ =	shalt  }
0x71: {  	_ =	shalt  }
0x72: {  	_ =	shalt  }
0x73: {  	_ =	shalt  }
0x74: {  	_ =	shalt  }
0x75: {  	_ =	shalt  }
0x76: {  	_ =	shalt  }
0x77: {  	_ =	shalt  }
0x78: {  	_ =	shalt  }
0x79: {  	_ =	shalt  }
0x7a: {  	_ =	shalt  }
0x7b: {  	_ =	shalt  }
0x7c: {  	_ =	shalt  }
0x7d: {  	_ =	shalt  }
0x7e: {  	_ =	shalt  }
0x7f: {  	_ =	shalt  }
0x80: {  	_ =	shalt  }
0x81: {  	_ =	shalt  }
0x82: {  	_ =	shalt  }
0x83: {  	_ =	shalt  }
0x84: {  	_ =	shalt  }
0x85: {  	_ =	shalt  }
0x86: {  	_ =	shalt  }
0x87: {  	_ =	shalt  }
.Lfunc_end0:
.L_simem_size_0:
called_computation_lowered:
.L_overlay_start_0:
0x88: {  	s2 =	sld [smem:$0x3FD9]  }
0x89: {  	s3 =	sld [smem:$0x3FFE];
	_ =	sdelay $0x1  }
0x8a: {  	s1 =	srdreg.scid  }
0x8b: {  	s0 =	sand.u32 $0x1, s1  }
0x8c: {  	s17 =	sshll.u32 s0, $0xA;
	s2 =	sadd.s32 s3, s2  }
0x8d: {  	s2 =	sadd.s32 s2, s17  }
0x8e: {  	[smem:$0x3FC6] =	sst s2  }
0x8f: {  	_ = 	snop  }
0x90: {  	s2 =	sld [smem:$0x3FD0];
	(tm) =	ssettm $0x1  }
0x91: {  	s18 =	sld [smem:$0x3FFB];
	_ =	sdelay $0x3  }
0x92: {  	_ =	strace s18  }
0x93: {  	s3 =	sld [smem:$0x3FFC];
	_ =	sdelay $0x3  }
0x94: {  	_ =	strace s3  }
0x95: {  	s3 =	sld [smem:$0x3FFD];
	_ =	sdelay $0x3  }
0x96: {  	_ =	strace s3  }
0x97: {  	_ =	strace $0x8FFFFFFF  }
0x98: {  	s19 =	sld [smem:$0x3FDB];
	_ =	sdelay $0x1  }
0x99: {  	s4 =	simm.s32 $_scs_section_size  }
0x9a: {  	s5 =	simm.s32 $_size__tile_overlayer_lowered;
	s6 =	simm.s32 $_tile_overlayer_lowered  }
0x9b: {  	s22 =	simm.s32 $0x1BFF;
	s21 =	sshll.u32 s6, $0x1;
	s3 =	sadd.s32 s4, s19  }
0x9c: {  	s7 =	simm.s32 $0x0;
	s20 =	sshll.u32 s5, $0x1;
	s5 =	sadd.s32 s21, s3  }
0x9d: {  	[timem:s7], [sflag:s22] =	dma.local [hbm:s5], s20  }
0x9e: {  	_ =	swait.ge [sflag:s22], s20  }
0x9f: {  	s4 =	ssub.s32 $0x0, s20;
	[sflag:s22] =	ssyncset.done $0x0  }
0xa0: {  	[sflag:s22] =	ssyncadd.s32 s4;
	_ =	sdelay $0x1  }
0xa1: {  	s23 =	simm.s32 $0x1B8B  }
0xa2: {  	_ =	swait.ge [sflag:s23], $0x1  }
0xa3: {  	[sflag:s23] =	ssyncset.done $0x0  }
0xa4: {  	s25 =	simm.s32 $0x1B8E;
	s24 =	sld [smem:$0x3FFE];
	[sflag:s23] =	ssyncadd.s32 $0xFFFFFFFF  }
0xa5: {  	s26 =	simm.s32 $execute0_lowered;
	[smem:$0x3FD2] =	sst s25  }
0xa6: {  	s5 =	sshll.u32 s26, $0x1;
	_ =	strace $0x80000046;
	[dreg:$0x1] =	wrdreg $0xFFFFFFFF  }
0xa7: {  	s28 =	simm.s32 $_size_execute0_lowered;
	s3 =	sadd.s32 s3, s5;
	[dreg:$0x0] =	wrdreg $0x0  }
0xa8: {  	s5 =	sshll.u32 s28, $0x1;
	[dreg:$0x2] =	wrdreg s3  }
0xa9: {  	[dreg:$0x3] =	wrdreg s5  }
0xaa: {  	[dreg:$0x4] =	wrdreg $0xC0  }
0xab: {  	_ =	task [dreg:s7], $0x5FFFF  }
0xac: {  	[dreg:$0x1] =	wrdreg $0xFFFFFFFF  }
0xad: {  	[dreg:$0x0] =	wrdreg $0x60  }
0xae: {  	[dreg:$0x2] =	wrdreg s24  }
0xaf: {  	[dreg:$0x3] =	wrdreg s2  }
0xb0: {  	[dreg:$0x4] =	wrdreg $0x9  }
0xb1: {  	_ =	task.clear_ibuf [dreg:s7], $0x5FFFF;
	_ =	strace $0x90000046  }
0xb2: {  	s29 =	simm.s32 $0x9;
	_ =	strace $0x80000048  }
0xb3: {  	_ =	swait.ge [sflag:s29], $0x1  }
0xb4: {  	[sflag:s29] =	ssyncadd.s32 $0xFFFFFFFF  }
0xb5: {  	_ =	strace $0x90000048  }
0xb6: {  	_ =	sfence  }
0xb7: {  	s30 =	sld [smem:$0x0];
	_ =	sdelay $0x2  }
0xb8: {  	s31 =	sshll.u32 s1, $0xD;
	s1 =	sshrl.u32 s1, $0x2  }
0xb9: {  	s3 =	sand.u32 $0x4000, s31;
	s1 =	sadd.s32 s1, s30  }
0xba: {  	s0 =	sor.u32 s3, s0;
	s1 =	sshll.u32 s1, $0x11  }
0xbb: {  	s0 =	sor.u32 s1, s0  }
0xbc: {  	s0 =	sadd.s32 $0x8F2B, s0  }
0xbd: {  	[sflag:s0] =	ssyncadd.remote.s32 $0x1  }
0xbe: {  	_ =	sfence.sel $0xFFFF  }
0xbf: {  	[dreg:$0x0] =	wrdreg $0xFFFFFFFF;
	(pc) =	sbr.abs _section_cstart, $3  }
0xc0: {  	[dreg:$0x1] =	wrdreg $0xFFFFFFFF  }
0xc1: {  	_ =	task.clear_ibuf [dreg:s7], $0x2FFFF;
	_ =	strace $0x9FFFFFFF  }
0xc2: {  	(tm) =	ssettm $0x7FFFFFFF  }
0xc3: {  	_ =	shalt  }
tec
execute0_lowered:
.L_overlay_start_1:
0x0: {  	(tag) =	ssettag $0x1  }
0x1: {  	v0 =	vlaneseq.u32  }
0x2: {  	v25 =	vmul.u32 $0x40, v0;
	_ =	sdelay $0x1  }
0x3: {  	v0 =	vor.u32 $0x400, v25  }
0x4: {  	v55 =	vor.u32 $0xC00, v25;
	[tilespmem:$0x1FE80] =	vst v0  }
0x5: {  	v56 =	vor.u32 $0x1000, v25;
	[tilespmem:$0x1FE90] =	vst v55  }
0x6: {  	v57 =	vor.u32 $0x1800, v25;
	[tilespmem:$0x1FEA0] =	vst v56  }
0x7: {  	s4 =	rddreg [dreg:$0x0];
	v58 =	vor.u32 $0x1C00, v25;
	[tilespmem:$0x1FEB0] =	vst v57  }
0x8: {  	s2 =	rddreg [dreg:$0x1];
	s3 =	simm.s32 $0x0;
	v59 =	vor.u32 $0x1, v25;
	[tilespmem:$0x1FEC0] =	vst v58  }
0x9: {  	s1 =	srdreg.scid;
	[smem:$0x7FF] =	sst s3;
	v60 =	vor.u32 $0x1804, v25;
	[tilespmem:$0x1FED0] =	vst v59  }
0xa: {  	s5 =	sand.u32 $0x1, s1;
	s1 =	rddreg [dreg:$0x2];
	v16 =	vor.u32 $0x1400, v25;
	_ =	strace $0x80000047;
	[tilespmem:$0x1FEE0] =	vst v60  }
0xb: {  	v1 =	vor.u32 $0x1C03, v25;
	[tilespmem:$0x1FEF0] =	vst v16  }
0xc: {  	v56 =	vor.u32 $0x1803, v25;
	[tilespmem:$0x1FF00] =	vst v1  }
0xd: {  	v27 =	vor.u32 $0x800, v25;
	v35 =	vor.u32 $0x401, v25;
	v26 =	vor.u32 $0x406, v25;
	[tilespmem:$0x1FF10] =	vst v56  }
0xe: {  	v36 =	vor.u32 $0x801, v25;
	v37 =	vor.u32 $0xC01, v25;
	v62 =	vor.u32 $0x804, v25;
	[tilespmem:$0x1FF20] =	vst v26  }
0xf: {  	v38 =	vor.u32 $0x1001, v25;
	v39 =	vor.u32 $0x1401, v25;
	v63 =	vor.u32 $0xC04, v25;
	[tilespmem:$0x1FF30] =	vst v62  }
0x10: {  	v40 =	vor.u32 $0x1801, v25;
	v41 =	vor.u32 $0x1C01, v25;
	v15 =	vor.u32 $0x1004, v25;
	[tilespmem:$0x1FF40] =	vst v63  }
0x11: {  	v42 =	vor.u32 $0x2, v25;
	v43 =	vor.u32 $0x402, v25;
	v14 =	vor.u32 $0x1404, v25;
	[tilespmem:$0x1FF50] =	vst v15  }
0x12: {  	v44 =	vor.u32 $0x802, v25;
	v45 =	vor.u32 $0xC02, v25;
	v61 =	vor.u32 $0x404, v25;
	[tilespmem:$0x1FF60] =	vst v14  }
0x13: {  	s0 =	stileid.u32;
	v46 =	vor.u32 $0x1002, v25;
	v47 =	vor.u32 $0x1402, v25;
	v59 =	vor.u32 $0x4, v25;
	[tilespmem:$0x1FF70] =	vst v61  }
0x14: {  	s9 =	simm.s32 $0x80;
	s10 =	simm.s32 $0x6400;
	s11 =	simm.s32 $0x8400;
	v48 =	vor.u32 $0x1802, v25;
	v49 =	vor.u32 $0x1C02, v25;
	v17 =	vor.u32 $0x805, v25;
	[tilespmem:$0x1FF80] =	vst v59  }
0x15: {  	s12 =	simm.s32 $0x1;
	s13 =	simm.s32 $0x400;
	s14 =	simm.s32 $0x8000;
	v50 =	vor.u32 $0x3, v25;
	v51 =	vor.u32 $0x403, v25;
	v58 =	vor.u32 $0xC06, v25;
	[tilespmem:$0x1FF90] =	vst v17  }
0x16: {  	s15 =	simm.s32 $0xA400;
	s16 =	simm.s32 $0x2;
	s31 =	sshll.u32 s0, $0x1;
	v52 =	vor.u32 $0x803, v25;
	v53 =	vor.u32 $0xC03, v25;
	v57 =	vor.u32 $0x1405, v25;
	[tilespmem:$0x1FFA0] =	vst v58  }
0x17: {  	s17 =	simm.s32 $0x4;
	s18 =	simm.s32 $0xC400;
	s6 =	sor.u32 s5, s31;
	v54 =	vor.u32 $0x1003, v25;
	v23 =	vor.u32 $0x1C04, v25;
	v19 =	vor.u32 $0x806, v25;
	[tilespmem:$0x1FFB0] =	vst v57  }
0x18: {  	s19 =	simm.s32 $0x3;
	s5 =	ssub.s32 $0x2, s5;
	s7 =	smul.u32 $0xC80, s6;
	v24 =	vor.u32 $0x5, v25;
	v22 =	vor.u32 $0x405, v25;
	v21 =	vor.u32 $0xC05, v25;
	[tilespmem:$0x1FFD0] =	vst v19  }
0x19: {  	s20 =	simm.s32 $0x0;
	s8 =	sshrl.u32 s5, $0x1;
	s6 =	sshll.u32 s6, $0xA;
	v20 =	vor.u32 $0x1005, v25;
	v29 =	vor.u32 $0x1805, v25;
	v18 =	vor.u32 $0x1C05, v25;
	[tilespmem:$0x1FFE0] =	vst v21  }
0x1a: {  	v28 =	vor.u32 $0x1006, v25;
	v30 =	vor.u32 $0x1406, v25;
	s8 =	ssub.s32 s5, s8;
	s7 =	sadd.s32 s7, s4;
	s4 =	sadd.s32 $0x19600, s4;
	v60 =	vor.u32 $0x6, v25;
	[tilespmem:$0x1FFF0] =	vst v20  }
0x1b: {  	v31 =	vor.u32 $0x1806, v25;
	v34 =	vor.u32 $0x1C06, v25;
	v55 =	vor.u32 $0x1403, v25;
	s5 =	sadd.s32 $0x600, s7;
	s7 =	smax.u32 s8, $0x1;
	s8 =	simm.s32 $0x5;
	[tilespmem:$0x1FFC0] =	vst v60  }
.LBB2_1:
0x1c: {  	[tilespmem:s3], [sflag:$0x5] =	stream.linear.gather [hbm4b:s5+s3], $0x6400, $0x38;
	[tilespmem:$0xE400] =	vst v63  }
0x1d: {  	_ =	swait.ge [sflag:s8], $0x6400  }
0x1e: {  	[sflag:s8] =	ssyncset.done $0x0  }
0x1f: {  	s21 =	simm.s32 $0x70;
	[sflag:s8] =	ssyncadd.s32 $0xFFFF9C00  }
0x20: {  	v0 =	vld [tilespmem:s21+$0xFFFFFF90]  }
0x21: {  	v2 =	vld [tilespmem:s21+$0xFFFFFFA0]  }
0x22: {  	v3 =	vld [tilespmem:s21+$0xFFFFFFB0];
	_ =	sdelay $0x2  }
0x23: {  	v4 =	vshll.u32 v0, $0x1;
	v5 =	vand.u32 $0xFFFFFE00, v0  }
0x24: {  	v7 =	vld [tilespmem:s21+$0xFFFFFFC0];
	v0 =	vshrl.u32 v0, $0x8;
	v6 =	vshll.u32 v2, $0x1;
	v8 =	vand.u32 $0xFFFFFE00, v2  }
0x25: {  	v2 =	vshrl.u32 v2, $0x8;
	v9 =	vshll.u32 v3, $0x1;
	v11 =	vand.u32 $0xFFFFFE00, v3  }
0x26: {  	v10 =	vld [tilespmem:s21+$0xFFFFFFD0];
	v3 =	vshrl.u32 v3, $0x8;
	v4 =	vand.u32 $0x1FE, v4;
	v0 =	vand.u32 $0x1, v0  }
0x27: {  	v6 =	vand.u32 $0x1FE, v6;
	v2 =	vand.u32 $0x1, v2;
	v9 =	vand.u32 $0x1FE, v9  }
0x28: {  	v3 =	vand.u32 $0x1, v3;
	v4 =	vor.u32 v5, v4;
	v6 =	vor.u32 v8, v6  }
0x29: {  	v8 =	vor.u32 v11, v9;
	v9 =	vand.u32 $0xFFFFFE00, v7;
	v0 =	vor.u32 v0, v4;
	v4 =	vld [tilespmem:s21+$0xFFFFFFE0]  }
0x2a: {  	v2 =	vor.u32 v2, v6;
	v6 =	vshll.u32 v7, $0x1;
	v7 =	vshrl.u32 v7, $0x8  }
0x2b: {  	v11 =	vand.u32 $0xFFFFFE00, v10;
	[tilespmem:s21+$0xFFFFFF90] =	vst v0;
	v0 =	vand.u32 $0x1, v7;
	v7 =	vshll.u32 v10, $0x1  }
0x2c: {  	v3 =	vor.u32 v3, v8;
	v8 =	vld [tilespmem:s21+$0x0];
	v6 =	vand.u32 $0x1FE, v6;
	[tilespmem:s21+$0xFFFFFFA0] =	vst v2;
	v2 =	vand.u32 $0x1FE, v7  }
0x2d: {  	s22 =	simm.s32 $0xF0;
	v1 =	vld [tilespmem:s21+$0xFFFFFFF0];
	v7 =	vshrl.u32 v10, $0x8;
	v6 =	vor.u32 v9, v6;
	v2 =	vor.u32 v11, v2  }
0x2e: {  	v9 =	vld [tilespmem:s22+$0xFFFFFF90];
	[tilespmem:s21+$0xFFFFFFB0] =	vst v3;
	v7 =	vand.u32 $0x1, v7;
	v3 =	vor.u32 v0, v6;
	v10 =	vshll.u32 v4, $0x1  }
0x2f: {  	v6 =	vand.u32 $0xFFFFFE00, v4;
	v4 =	vshrl.u32 v4, $0x8;
	v10 =	vand.u32 $0x1FE, v10  }
0x30: {  	v0 =	vld [tilespmem:s22+$0xFFFFFFF0];
	v2 =	vor.u32 v7, v2;
	[tilespmem:s21+$0xFFFFFFC0] =	vst v3;
	v3 =	vand.u32 $0x1, v4;
	v6 =	vor.u32 v6, v10  }
0x31: {  	[tilespmem:s21+$0xFFFFFFD0] =	vst v2;
	v4 =	vshll.u32 v8, $0x1;
	v3 =	vor.u32 v3, v6  }
0x32: {  	v7 =	vand.u32 $0xFFFFFE00, v8;
	v2 =	vand.u32 $0x1FE, v4;
	v6 =	vld [tilespmem:s22+$0xFFFFFFA0];
	[tilespmem:s21+$0xFFFFFFE0] =	vst v3  }
0x33: {  	v5 =	vshll.u32 v1, $0x1;
	v4 =	vshrl.u32 v8, $0x8;
	v2 =	vor.u32 v7, v2;
	v7 =	vld [tilespmem:s22+$0xFFFFFFB0]  }
0x34: {  	v5 =	vand.u32 $0x1FE, v5;
	v4 =	vand.u32 $0x1, v4  }
0x35: {  	v8 =	vshrl.u32 v9, $0x8;
	v3 =	vand.u32 $0xFFFFFE00, v1;
	v4 =	vor.u32 v4, v2  }
0x36: {  	v2 =	vshrl.u32 v1, $0x8;
	v1 =	vor.u32 v3, v5;
	v3 =	vshll.u32 v9, $0x1  }
0x37: {  	v2 =	vand.u32 $0x1, v2;
	v5 =	vand.u32 $0xFFFFFE00, v9;
	[tilespmem:s21+$0x0] =	vst v4;
	v3 =	vand.u32 $0x1FE, v3  }
0x38: {  	v11 =	vld [tilespmem:s22+$0xFFFFFFC0];
	v4 =	vor.u32 v5, v3;
	v5 =	vand.u32 $0x1, v8;
	v10 =	vshll.u32 v7, $0x1  }
0x39: {  	v12 =	vand.u32 $0xFFFFFE00, v7;
	v7 =	vshrl.u32 v7, $0x8;
	v10 =	vand.u32 $0x1FE, v10  }
0x3a: {  	v9 =	vshll.u32 v6, $0x1;
	v10 =	vor.u32 v12, v10;
	v12 =	vand.u32 $0x1, v7;
	v7 =	vld [tilespmem:s22+$0xFFFFFFD0]  }
0x3b: {  	v8 =	vand.u32 $0xFFFFFE00, v6;
	v6 =	vshrl.u32 v6, $0x8;
	v9 =	vand.u32 $0x1FE, v9  }
0x3c: {  	v3 =	vshll.u32 v0, $0x1;
	v6 =	vand.u32 $0x1, v6;
	v9 =	vor.u32 v8, v9  }
0x3d: {  	v8 =	vor.u32 v5, v4;
	v5 =	vld [tilespmem:s22+$0xFFFFFFE0];
	v6 =	vor.u32 v6, v9;
	v9 =	vand.u32 $0xFFFFFE00, v11  }
0x3e: {  	v32 =	vmovc v59;
	s23 =	simm.s32 $0x5C0;
	v4 =	vor.u32 v12, v10;
	v10 =	vshll.u32 v11, $0x1;
	v11 =	vshrl.u32 v11, $0x8  }
.LBB2_2:
0x3f: {  	p0 =	sne.s32 s23, $0x18FC0;
	v10 =	vand.u32 $0x1FE, v10;
	v11 =	vand.u32 $0x1, v11;
	v12 =	vshll.u32 v7, $0x1;
	v13 =	vld [tilespmem:s22+$0x0]  }
0x40: {  	v56 =	vand.u32 $0xFFFFFE00, v7;
	v7 =	vshrl.u32 v7, $0x8;
	v12 =	vand.u32 $0x1FE, v12  }
0x41: {  	v9 =	vor.u32 v9, v10;
	v7 =	vand.u32 $0x1, v7;
	v10 =	vor.u32 v56, v12  }
0x42: {  	[tilespmem:s22+$0xFFFFFF90] =	vst v8;
	v8 =	vor.u32 v11, v9;
	v7 =	vor.u32 v7, v10;
	v9 =	vshll.u32 v5, $0x1  }
0x43: {  	s24 =	sshra.s32 s23, $0x2;
	[tilespmem:s22+$0xFFFFFFA0] =	vst v6;
	v6 =	vand.u32 $0xFFFFFE00, v5;
	v9 =	vand.u32 $0x1FE, v9;
	v5 =	vshrl.u32 v5, $0x8  }
0x44: {  	v10 =	vld [tilespmem:s24+$0xFFFFFF90];
	[tilespmem:s22+$0xFFFFFFB0] =	vst v4;
	v4 =	vor.u32 v6, v9;
	v5 =	vand.u32 $0x1, v5;
	v6 =	vshll.u32 v13, $0x1  }
0x45: {  	v11 =	vshrl.u32 v13, $0x8;
	v9 =	vld [tilespmem:s24+$0xFFFFFFF0];
	[tilespmem:s22+$0xFFFFFFC0] =	vst v8;
	v8 =	vand.u32 $0xFFFFFE00, v13;
	v6 =	vand.u32 $0x1FE, v6  }
0x46: {  	v4 =	vor.u32 v5, v4;
	[tilespmem:s22+$0xFFFFFFD0] =	vst v7;
	v5 =	vor.u32 v8, v6;
	v6 =	vand.u32 $0x1, v11  }
0x47: {  	v3 =	vand.u32 $0x1FE, v3;
	v7 =	vld [tilespmem:s24+$0xFFFFFFA0];
	[tilespmem:s22+$0xFFFFFFE0] =	vst v4;
	v4 =	vand.u32 $0xFFFFFE00, v0;
	v5 =	vor.u32 v6, v5  }
0x48: {  	v8 =	vshrl.u32 v0, $0x8;
	v6 =	vld [tilespmem:s24+$0xFFFFFFB0];
	[tilespmem:s22+$0x0] =	vst v5;
	v5 =	vor.u32 v2, v1;
	v1 =	vor.u32 v4, v3  }
0x49: {  	v2 =	vand.u32 $0x1, v8;
	v3 =	vshll.u32 v10, $0x1;
	[tilespmem:s21+$0xFFFFFFF0] =	vst v5;
	s21 =	smov.u32 s22;
	s22 =	smov.u32 s24  }
0x4a: {  	v4 =	vand.u32 $0xFFFFFE00, v10;
	v5 =	vshrl.u32 v10, $0x8;
	v3 =	vand.u32 $0x1FE, v3;
	v0 =	vmovc v9  }
0x4b: {  	v5 =	vand.u32 $0x1, v5;
	v4 =	vor.u32 v4, v3;
	v3 =	vshll.u32 v0, $0x1  }
0x4c: {  	v8 =	vand.u32 $0xFFFFFE00, v7;
	v9 =	vshll.u32 v7, $0x1;
	v7 =	vshrl.u32 v7, $0x8;
	v11 =	vld [tilespmem:s22+$0xFFFFFFC0]  }
.Ltmp0:
0x4d: {  	v9 =	vand.u32 $0x1FE, v9;
	v10 =	vand.u32 $0x1, v7;
	v12 =	vshll.u32 v6, $0x1;
	v7 =	vld [tilespmem:s22+$0xFFFFFFD0];
	(pc) =	sbr.rel @p0 .LBB2_2-.Ltmp0, $4  }
0x4e: {  	v13 =	vand.u32 $0xFFFFFE00, v6;
	v6 =	vshrl.u32 v6, $0x8;
	v12 =	vand.u32 $0x1FE, v12  }
0x4f: {  	v9 =	vor.u32 v8, v9;
	v12 =	vor.u32 v13, v12;
	v13 =	vand.u32 $0x1, v6  }
0x50: {  	v8 =	vor.u32 v5, v4;
	v6 =	vor.u32 v10, v9;
	v4 =	vor.u32 v13, v12;
	v5 =	vld [tilespmem:s22+$0xFFFFFFE0]  }
0x51: {  	s23 =	sadd.s32 $0x200, s23;
	v9 =	vand.u32 $0xFFFFFE00, v11;
	v10 =	vshll.u32 v11, $0x1;
	v11 =	vshrl.u32 v11, $0x8  }
0x52: {  	v10 =	vand.u32 $0x1FE, v10  }
0x53: {  	v11 =	vand.u32 $0x1, v11;
	v12 =	vshll.u32 v7, $0x1;
	v13 =	vld [tilespmem:s22+$0x0];
	v56 =	vand.u32 $0xFFFFFE00, v7  }
0x54: {  	v59 =	vshrl.u32 v7, $0x8;
	v3 =	vand.u32 $0x1FE, v3;
	v12 =	vand.u32 $0x1FE, v12  }
0x55: {  	v9 =	vor.u32 v9, v10;
	v7 =	vand.u32 $0x1, v59;
	v33 =	vor.u32 v56, v12  }
0x56: {  	[tilespmem:s22+$0xFFFFFF90] =	vst v8;
	v8 =	vor.u32 v11, v9;
	v12 =	vshll.u32 v5, $0x1;
	v56 =	vand.u32 $0xFFFFFE00, v5  }
0x57: {  	[tilespmem:s22+$0xFFFFFFA0] =	vst v6;
	v7 =	vor.u32 v7, v33;
	v10 =	vshrl.u32 v5, $0x8;
	v59 =	vand.u32 $0x1FE, v12  }
0x58: {  	[tilespmem:s22+$0xFFFFFFB0] =	vst v4;
	v4 =	vand.u32 $0x1, v10;
	v6 =	vor.u32 v56, v59;
	v33 =	vshll.u32 v13, $0x1  }
0x59: {  	[tilespmem:s22+$0xFFFFFFC0] =	vst v8;
	v56 =	vand.u32 $0xFFFFFE00, v13;
	v59 =	vshrl.u32 v13, $0x8;
	v5 =	vand.u32 $0x1FE, v33  }
0x5a: {  	[tilespmem:s22+$0xFFFFFFD0] =	vst v7;
	v4 =	vor.u32 v4, v6;
	v11 =	vand.u32 $0x1, v59;
	v5 =	vor.u32 v56, v5  }
0x5b: {  	v33 =	vand.u32 $0xFFFFFE00, v0;
	v59 =	vshrl.u32 v0, $0x8;
	[tilespmem:s22+$0xFFFFFFE0] =	vst v4;
	v56 =	vor.u32 v11, v5  }
0x5c: {  	v1 =	vor.u32 v2, v1;
	v3 =	vor.u32 v33, v3;
	v0 =	vand.u32 $0x1, v59;
	[tilespmem:s22+$0x0] =	vst v56  }
0x5d: {  	v0 =	vor.u32 v0, v3;
	[tilespmem:s21+$0xFFFFFFF0] =	vst v1  }
0x5e: {  	v59 =	vmov v32;
	v32 =	vmov v62;
	v62 =	vmov v17;
	s21 =	simm.s32 $0x0;
	[tilespmem:s22+$0xFFFFFFF0] =	vst v0  }
0x5f: {  	v56 =	vld [tilespmem:$0x1FF10];
	v17 =	vmov v63;
	v63 =	vmov v62;
	[tilespmem:s10], [sflag:$0x1] =	stream.indirect.gather [hbm4b:s4+s9], $0x40, s21, s9, $0xb8  }
.LBB2_4:
0x60: {  	s23 =	simm.s32 $0x0  }
0x61: {  	s22 =	sshllo.u32 s21, $0x1;
	v0 =	vmov s23  }
0x62: {  	s31 =	sshll.u32 s22, $0x7;
	v0 =	vshrl.u32 v0, $0x3  }
0x63: {  	s23 =	sand.u32 $0x3FFFFF80, s31;
	v0 =	vshll.u32 v0, $0x3  }
0x64: {  	[tilespmem:s11], [sflag:$0x2] =	stream.indirect.gather [hbm4b:s4+s9], $0x40, s23, s9, $0xb8;
	v2 =	vbroadcast v0, $0x0;
	[tilespmem:$0xE400] =	vst v63  }
0x65: {  	_ =	swait.ge [sflag:s12], $0x2000  }
0x66: {  	p0 =	seq.s32 s21, $0x0;
	[sflag:s12] =	ssyncset.done $0x0;
	v0 =	vor.u32 v25, v2  }
0x67: {  	s23 =	simm.s32 @!p0 $0x3;
	[sflag:s12] =	ssyncadd.s32 $0xFFFFE000;
	v3 =	vor.u32 v24, v2  }
0x68: {  	v62 =	vor.u32 $0x7, v25;
	v1 =	vld [tilespmem:$0x1FED0];
	v4 =	vor.u32 v42, v2;
	_ =	swait.ge @!p0 [sflag:s23], $0x2000  }
0x69: {  	v5 =	vor.u32 v62, v2;
	[sflag:s23] =	ssyncset.done @!p0 $0x0  }
0x6a: {  	v6 =	vor.u32 v59, v2;
	[sflag:s23] =	ssyncadd.s32 @!p0 $0xFFFFE000  }
0x6b: {  	v7 =	vor.u32 v60, v2;
	v0 =	vld.idx.msk [tilespmem:v0+s10+$0x0], $0xffff  }
0x6c: {  	v8 =	vor.u32 v50, v2;
	v3 =	vld.idx.msk [tilespmem:v3+s10+$0x0], $0xffff  }
0x6d: {  	v9 =	vor.u32 v22, v2;
	v4 =	vld.idx.msk [tilespmem:v4+s10+$0x0], $0xffff  }
0x6e: {  	v10 =	vor.u32 v43, v2;
	v59 =	vor.u32 $0x407, v25;
	v5 =	vld.idx.msk [tilespmem:v5+s10+$0x0], $0xffff  }
0x6f: {  	v11 =	vor.u32 v59, v2;
	v6 =	vld.idx.msk [tilespmem:v6+s10+$0x0], $0xffff  }
0x70: {  	v12 =	vor.u32 v61, v2;
	s23 =	simm.s32 $0xA600;
	v7 =	vld.idx.msk [tilespmem:v7+s10+$0x0], $0xffff  }
0x71: {  	v1 =	vor.u32 v1, v2;
	v8 =	vld.idx.msk [tilespmem:v8+s10+$0x0], $0xffff;
	[tilespmem:s23+$0x80] =	vst v3  }
0x72: {  	v13 =	vor.u32 v26, v2;
	[tilespmem:s23+$0xFFFFFF00] =	vst v4;
	v4 =	vld.idx.msk [tilespmem:v9+s10+$0x0], $0xffff  }
0x73: {  	v3 =	vor.u32 v51, v2;
	[tilespmem:s23+$0x180] =	vst v5;
	v9 =	vld.idx.msk [tilespmem:v10+s10+$0x0], $0xffff  }
0x74: {  	[tilespmem:s23+$0x0] =	vst v6;
	v10 =	vor.u32 v63, v2;
	v63 =	vor.u32 $0x807, v25;
	v6 =	vld.idx.msk [tilespmem:v11+s10+$0x0], $0xffff  }
0x75: {  	[tilespmem:s23+$0x100] =	vst v7;
	v7 =	vld.idx.msk [tilespmem:v12+s10+$0x0], $0xffff;
	v11 =	vor.u32 v63, v2  }
0x76: {  	v1 =	vld.idx.msk [tilespmem:v1+s10+$0x0], $0xffff;
	v5 =	vor.u32 v44, v2;
	[tilespmem:s23+$0xFFFFFF80] =	vst v8  }
0x77: {  	v8 =	vor.u32 v32, v2;
	v12 =	vld.idx.msk [tilespmem:v13+s10+$0x0], $0xffff;
	[tilespmem:s23+$0x90] =	vst v4  }
0x78: {  	v13 =	vor.u32 v19, v2;
	v3 =	vld.idx.msk [tilespmem:v3+s10+$0x0], $0xffff;
	[tilespmem:s23+$0xFFFFFF10] =	vst v9  }
0x79: {  	v4 =	vor.u32 v35, v2;
	[tilespmem:s23+$0x190] =	vst v6;
	v9 =	vld.idx.msk [tilespmem:v10+s10+$0x0], $0xffff  }
0x7a: {  	v32 =	vor.u32 $0xC07, v25;
	[tilespmem:s23+$0x10] =	vst v7;
	v10 =	vor.u32 v21, v2;
	v7 =	vld.idx.msk [tilespmem:v11+s10+$0x0], $0xffff  }
0x7b: {  	[tilespmem:s23+$0xFFFFFE80] =	vst v1;
	v5 =	vld.idx.msk [tilespmem:v5+s10+$0x0], $0xffff;
	v11 =	vor.u32 v32, v2  }
0x7c: {  	v1 =	vor.u32 v45, v2;
	[tilespmem:s23+$0x110] =	vst v12;
	v8 =	vld.idx.msk [tilespmem:v8+s10+$0x0], $0xffff  }
0x7d: {  	v6 =	vor.u32 v52, v2;
	v12 =	vld.idx.msk [tilespmem:v13+s10+$0x0], $0xffff;
	[tilespmem:s23+$0xFFFFFF90] =	vst v3  }
0x7e: {  	v13 =	vor.u32 v17, v2;
	v4 =	vld.idx.msk [tilespmem:v4+s10+$0x0], $0xffff;
	[tilespmem:s23+$0xA0] =	vst v9  }
0x7f: {  	v9 =	vor.u32 v58, v2;
	[tilespmem:s23+$0x1A0] =	vst v7;
	v3 =	vld.idx.msk [tilespmem:v10+s10+$0x0], $0xffff  }
0x80: {  	v61 =	vor.u32 $0x1007, v25;
	[tilespmem:s23+$0xFFFFFF20] =	vst v5;
	v10 =	vor.u32 v20, v2;
	v5 =	vld.idx.msk [tilespmem:v11+s10+$0x0], $0xffff  }
0x81: {  	[tilespmem:s23+$0x20] =	vst v8;
	v8 =	vor.u32 v61, v2;
	v1 =	vld.idx.msk [tilespmem:v1+s10+$0x0], $0xffff  }
0x82: {  	v6 =	vld.idx.msk [tilespmem:v6+s10+$0x0], $0xffff;
	[tilespmem:s23+$0x120] =	vst v12;
	v11 =	vor.u32 v46, v2  }
0x83: {  	v7 =	vor.u32 v36, v2;
	v12 =	vld.idx.msk [tilespmem:v13+s10+$0x0], $0xffff;
	[tilespmem:s23+$0xFFFFFE90] =	vst v4  }
0x84: {  	v13 =	vor.u32 v15, v2;
	v9 =	vld.idx.msk [tilespmem:v9+s10+$0x0], $0xffff;
	[tilespmem:s23+$0xB0] =	vst v3  }
0x85: {  	v3 =	vor.u32 v53, v2;
	[tilespmem:s23+$0x1B0] =	vst v5;
	v4 =	vld.idx.msk [tilespmem:v10+s10+$0x0], $0xffff  }
0x86: {  	v15 =	vor.u32 $0x1407, v25;
	v5 =	vor.u32 v57, v2;
	[tilespmem:s23+$0xFFFFFF30] =	vst v1;
	v8 =	vld.idx.msk [tilespmem:v8+s10+$0x0], $0xffff  }
0x87: {  	[tilespmem:s23+$0xFFFFFFA0] =	vst v6;
	v10 =	vld.idx.msk [tilespmem:v11+s10+$0x0], $0xffff;
	v11 =	vor.u32 v15, v2  }
0x88: {  	v7 =	vld.idx.msk [tilespmem:v7+s10+$0x0], $0xffff;
	v1 =	vor.u32 v28, v2;
	[tilespmem:s23+$0x30] =	vst v12  }
0x89: {  	v12 =	vld.idx.msk [tilespmem:v13+s10+$0x0], $0xffff;
	[tilespmem:s23+$0x130] =	vst v9  }
0x8a: {  	v3 =	vld.idx.msk [tilespmem:v3+s10+$0x0], $0xffff;
	[tilespmem:s23+$0xC0] =	vst v4  }
0x8b: {  	[tilespmem:s23+$0x1C0] =	vst v8;
	v5 =	vld.idx.msk [tilespmem:v5+s10+$0x0], $0xffff  }
0x8c: {  	v6 =	vor.u32 v47, v2;
	[tilespmem:s23+$0xFFFFFF40] =	vst v10;
	v10 =	vld.idx.msk [tilespmem:v11+s10+$0x0], $0xffff;
	v11 =	vor.u32 $0x1807, v25  }
0x8d: {  	v1 =	vld.idx.msk [tilespmem:v1+s10+$0x0], $0xffff;
	[tilespmem:$0x1FE70] =	vst v11  }
0x8e: {  	v13 =	vor.u32 v37, v2;
	[tilespmem:s23+$0x40] =	vst v12  }
0x8f: {  	v4 =	vor.u32 v14, v2;
	[tilespmem:s23+$0xFFFFFEA0] =	vst v7  }
0x90: {  	v8 =	vor.u32 v29, v2;
	v33 =	vld [tilespmem:$0x1FE80];
	[tilespmem:s23+$0xFFFFFFB0] =	vst v3  }
0x91: {  	v17 =	vmov v16;
	v9 =	vor.u32 v54, v2;
	v16 =	vld.idx.msk [tilespmem:v6+s10+$0x0], $0xffff;
	[tilespmem:s23+$0xD0] =	vst v5  }
0x92: {  	v14 =	vld [tilespmem:$0x1FEE0]  }
0x93: {  	v11 =	vor.u32 v11, v2;
	v12 =	vld.idx.msk [tilespmem:v13+s10+$0x0], $0xffff  }
0x94: {  	v13 =	vor.u32 v48, v2;
	v4 =	vld.idx.msk [tilespmem:v4+s10+$0x0], $0xffff  }
0x95: {  	v5 =	vld.idx.msk [tilespmem:v8+s10+$0x0], $0xffff;
	v7 =	vor.u32 v33, v2  }
0x96: {  	v8 =	vld.idx.msk [tilespmem:v9+s10+$0x0], $0xffff;
	v9 =	vor.u32 v30, v2;
	[tilespmem:s23+$0x1D0] =	vst v10  }
0x97: {  	[tilespmem:s23+$0xFFFFFE00] =	vst v0;
	v3 =	vor.u32 v14, v2  }
0x98: {  	v10 =	vld.idx.msk [tilespmem:v11+s10+$0x0], $0xffff;
	[tilespmem:s23+$0xFFFFFF50] =	vst v16  }
0x99: {  	[tilespmem:s23+$0x140] =	vst v1;
	v13 =	vld.idx.msk [tilespmem:v13+s10+$0x0], $0xffff  }
0x9a: {  	s25 =	simm.s32 $0x8;
	v0 =	vor.u32 v18, v2;
	[tilespmem:s23+$0x50] =	vst v4;
	v7 =	vld.idx.msk [tilespmem:v7+s10+$0x0], $0xffff  }
0x9b: {  	v11 =	vmov s25;
	v16 =	vmov v14;
	v14 =	vor.u32 $0x1C07, v25;
	[tilespmem:s23+$0xE0] =	vst v5;
	v5 =	vld.idx.msk [tilespmem:v9+s10+$0x0], $0xffff  }
0x9c: {  	v11 =	vshrl.u32 v11, $0x3;
	v3 =	vld.idx.msk [tilespmem:v3+s10+$0x0], $0xffff;
	[tilespmem:$0x1FE00] =	vst v14  }
0x9d: {  	v6 =	vor.u32 v38, v2;
	v4 =	vshll.u32 v11, $0x3;
	[tilespmem:s23+$0xFFFFFEB0] =	vst v12  }
0x9e: {  	v1 =	vbroadcast v4, $0x0;
	v4 =	vor.u32 v49, v2;
	[tilespmem:s23+$0xFFFFFF60] =	vst v13  }
0x9f: {  	v11 =	vor.u32 v27, v2;
	v0 =	vld.idx.msk [tilespmem:v0+s10+$0x0], $0xffff;
	[tilespmem:s23+$0xFFFFFE10] =	vst v7  }
0xa0: {  	v13 =	vld [tilespmem:$0x1FED0]  }
0xa1: {  	v9 =	vor.u32 v14, v2;
	[tilespmem:s23+$0x1E0] =	vst v10  }
0xa2: {  	v12 =	vor.u32 v25, v1;
	v6 =	vld.idx.msk [tilespmem:v6+s10+$0x0], $0xffff;
	[tilespmem:s23+$0xFFFFFFC0] =	vst v8  }
0xa3: {  	v7 =	vor.u32 v23, v2;
	v4 =	vld.idx.msk [tilespmem:v4+s10+$0x0], $0xffff;
	[tilespmem:s23+$0x60] =	vst v3  }
0xa4: {  	v11 =	vld.idx.msk [tilespmem:v11+s10+$0x0], $0xffff;
	v10 =	vor.u32 v42, v1;
	[tilespmem:s23+$0xF0] =	vst v0  }
0xa5: {  	v8 =	vld [tilespmem:$0x1FF80];
	v13 =	vor.u32 v13, v1  }
0xa6: {  	v9 =	vld.idx.msk [tilespmem:v9+s10+$0x0], $0xffff;
	v3 =	vor.u32 v50, v1  }
0xa7: {  	v0 =	vld.idx.msk [tilespmem:v12+s10+$0x0], $0xffff;
	v12 =	vor.u32 v39, v2;
	[tilespmem:s23+$0xFFFFFEC0] =	vst v6  }
0xa8: {  	v7 =	vld.idx.msk [tilespmem:v7+s10+$0x0], $0xffff;
	v6 =	vor.u32 v24, v1;
	[tilespmem:s23+$0x150] =	vst v5  }
0xa9: {  	v5 =	vor.u32 v60, v1;
	v10 =	vld.idx.msk [tilespmem:v10+s10+$0x0], $0xffff;
	[tilespmem:s23+$0xFFFFFE20] =	vst v11  }
0xaa: {  	v8 =	vor.u32 v8, v1;
	v13 =	vld.idx.msk [tilespmem:v13+s10+$0x0], $0xffff;
	[tilespmem:$0x1FE10] =	vst v62  }
0xab: {  	v11 =	vor.u32 v62, v1;
	v3 =	vld.idx.msk [tilespmem:v3+s10+$0x0], $0xffff  }
0xac: {  	s24 =	simm.s32 $0xAA00;
	[tilespmem:s23+$0xFFFFFF70] =	vst v4;
	v4 =	vld.idx.msk [tilespmem:v12+s10+$0x0], $0xffff  }
0xad: {  	[tilespmem:s24+$0xFFFFFE00] =	vst v0;
	v0 =	vld.idx.msk [tilespmem:v6+s10+$0x0], $0xffff  }
0xae: {  	v12 =	vor.u32 v55, v2;
	[tilespmem:s23+$0x1F0] =	vst v9;
	v5 =	vld.idx.msk [tilespmem:v5+s10+$0x0], $0xffff  }
0xaf: {  	v9 =	vor.u32 v43, v1;
	[tilespmem:s23+$0x70] =	vst v7;
	v8 =	vld.idx.msk [tilespmem:v8+s10+$0x0], $0xffff  }
0xb0: {  	v6 =	vor.u32 v40, v2;
	v11 =	vld.idx.msk [tilespmem:v11+s10+$0x0], $0xffff;
	[tilespmem:s24+$0xFFFFFE80] =	vst v13  }
0xb1: {  	v13 =	vld [tilespmem:$0x1FE90];
	[tilespmem:s24+$0xFFFFFF00] =	vst v10  }
0xb2: {  	v10 =	vld [tilespmem:$0x1FF70];
	[tilespmem:s23+$0xFFFFFED0] =	vst v4  }
0xb3: {  	v12 =	vld.idx.msk [tilespmem:v12+s10+$0x0], $0xffff;
	[tilespmem:s24+$0xFFFFFF80] =	vst v3  }
0xb4: {  	v9 =	vld.idx.msk [tilespmem:v9+s10+$0x0], $0xffff;
	[tilespmem:s24+$0x0] =	vst v8  }
0xb5: {  	v6 =	vld.idx.msk [tilespmem:v6+s10+$0x0], $0xffff;
	[tilespmem:$0x1FE20] =	vst v59  }
0xb6: {  	[tilespmem:s24+$0x80] =	vst v0  }
0xb7: {  	v13 =	vor.u32 v13, v2;
	[tilespmem:s24+$0x100] =	vst v5  }
0xb8: {  	[tilespmem:s24+$0x180] =	vst v11;
	v10 =	vor.u32 v10, v1  }
0xb9: {  	v7 =	vor.u32 v51, v1;
	v11 =	vld [tilespmem:$0x1FEA0];
	[tilespmem:s23+$0xFFFFFFD0] =	vst v12  }
0xba: {  	v4 =	vor.u32 v22, v1;
	v12 =	vld [tilespmem:$0x1FF30];
	[tilespmem:s23+$0xFFFFFEE0] =	vst v6  }
0xbb: {  	v3 =	vor.u32 v26, v1;
	v6 =	vld [tilespmem:$0x1FF90]  }
0xbc: {  	v8 =	vor.u32 v59, v1;
	v0 =	vld.idx.msk [tilespmem:v13+s10+$0x0], $0xffff  }
0xbd: {  	v5 =	vor.u32 v44, v1;
	v10 =	vld.idx.msk [tilespmem:v10+s10+$0x0], $0xffff  }
0xbe: {  	v7 =	vld.idx.msk [tilespmem:v7+s10+$0x0], $0xffff;
	v13 =	vor.u32 v41, v2  }
0xbf: {  	v4 =	vld.idx.msk [tilespmem:v4+s10+$0x0], $0xffff  }
0xc0: {  	v3 =	vld.idx.msk [tilespmem:v3+s10+$0x0], $0xffff;
	[tilespmem:s24+$0xFFFFFF10] =	vst v9;
	v11 =	vor.u32 v11, v2  }
0xc1: {  	v8 =	vld.idx.msk [tilespmem:v8+s10+$0x0], $0xffff;
	v12 =	vor.u32 v12, v1;
	[tilespmem:s23+$0xFFFFFE30] =	vst v0  }
0xc2: {  	v5 =	vld.idx.msk [tilespmem:v5+s10+$0x0], $0xffff;
	v6 =	vor.u32 v6, v1;
	[tilespmem:s24+$0x10] =	vst v10  }
0xc3: {  	v9 =	vor.u32 v19, v1;
	v13 =	vld.idx.msk [tilespmem:v13+s10+$0x0], $0xffff;
	[tilespmem:$0x1FE30] =	vst v63  }
0xc4: {  	v0 =	vor.u32 v35, v1;
	[tilespmem:s24+$0x90] =	vst v4  }
0xc5: {  	v10 =	vor.u32 v63, v1;
	v11 =	vld.idx.msk [tilespmem:v11+s10+$0x0], $0xffff;
	[tilespmem:s24+$0x110] =	vst v3  }
0xc6: {  	v4 =	vor.u32 v52, v1;
	v12 =	vld.idx.msk [tilespmem:v12+s10+$0x0], $0xffff;
	[tilespmem:s24+$0xFFFFFF90] =	vst v7  }
0xc7: {  	[tilespmem:s24+$0x190] =	vst v8;
	v6 =	vld.idx.msk [tilespmem:v6+s10+$0x0], $0xffff  }
0xc8: {  	[tilespmem:s24+$0xFFFFFF20] =	vst v5;
	v7 =	vld.idx.msk [tilespmem:v9+s10+$0x0], $0xffff  }
0xc9: {  	v0 =	vld.idx.msk [tilespmem:v0+s10+$0x0], $0xffff;
	[tilespmem:s23+$0xFFFFFEF0] =	vst v13  }
0xca: {  	v3 =	vor.u32 v45, v1;
	v10 =	vld.idx.msk [tilespmem:v10+s10+$0x0], $0xffff;
	[tilespmem:s23+$0xFFFFFE40] =	vst v11  }
0xcb: {  	v9 =	vor.u32 v17, v2;
	v4 =	vld.idx.msk [tilespmem:v4+s10+$0x0], $0xffff;
	[tilespmem:$0x1FE40] =	vst v32  }
0xcc: {  	v8 =	vor.u32 v21, v1;
	[tilespmem:s24+$0xA0] =	vst v6  }
0xcd: {  	v13 =	vor.u32 v58, v1;
	v6 =	vld [tilespmem:$0x1FF40]  }
0xce: {  	v5 =	vor.u32 v36, v1  }
0xcf: {  	v3 =	vld.idx.msk [tilespmem:v3+s10+$0x0], $0xffff  }
0xd0: {  	v11 =	vor.u32 v32, v1;
	v9 =	vld.idx.msk [tilespmem:v9+s10+$0x0], $0xffff  }
0xd1: {  	[tilespmem:s24+$0x120] =	vst v7;
	v7 =	vor.u32 v53, v1;
	v8 =	vld.idx.msk [tilespmem:v8+s10+$0x0], $0xffff  }
0xd2: {  	[tilespmem:s24+$0xFFFFFE90] =	vst v0;
	v0 =	vld.idx.msk [tilespmem:v13+s10+$0x0], $0xffff;
	v6 =	vor.u32 v6, v1  }
0xd3: {  	[tilespmem:s24+$0x1A0] =	vst v10;
	v5 =	vld.idx.msk [tilespmem:v5+s10+$0x0], $0xffff  }
0xd4: {  	v10 =	vld [tilespmem:$0x1FEB0];
	[tilespmem:s24+$0x20] =	vst v12  }
0xd5: {  	v11 =	vld.idx.msk [tilespmem:v11+s10+$0x0], $0xffff;
	[tilespmem:s24+$0xFFFFFFA0] =	vst v4  }
0xd6: {  	[tilespmem:s24+$0xFFFFFF30] =	vst v3;
	v3 =	vld.idx.msk [tilespmem:v7+s10+$0x0], $0xffff  }
0xd7: {  	v6 =	vld.idx.msk [tilespmem:v6+s10+$0x0], $0xffff;
	[tilespmem:$0x1FE50] =	vst v61  }
0xd8: {  	v13 =	vor.u32 v56, v2;
	[tilespmem:s23+$0xFFFFFE50] =	vst v9  }
0xd9: {  	v4 =	vor.u32 v46, v1;
	[tilespmem:s24+$0xB0] =	vst v8  }
0xda: {  	v10 =	vor.u32 v10, v2;
	v8 =	vld [tilespmem:$0x1FF50]  }
0xdb: {  	v12 =	vor.u32 v20, v1;
	_ =	sdelay $0x1  }
0xdc: {  	v7 =	vor.u32 v61, v1;
	v14 =	vld.idx.msk [tilespmem:v13+s10+$0x0], $0xffff  }
0xdd: {  	v13 =	vor.u32 v31, v2;
	v9 =	vld.idx.msk [tilespmem:v4+s10+$0x0], $0xffff  }
0xde: {  	v10 =	vld.idx.msk [tilespmem:v10+s10+$0x0], $0xffff;
	[tilespmem:s24+$0xFFFFFEA0] =	vst v5;
	v8 =	vor.u32 v8, v1  }
0xdf: {  	v5 =	vld.idx.msk [tilespmem:v12+s10+$0x0], $0xffff;
	[tilespmem:s24+$0x1B0] =	vst v11  }
0xe0: {  	v4 =	vld [tilespmem:$0x1FF00];
	[tilespmem:s24+$0xFFFFFFB0] =	vst v3  }
0xe1: {  	v7 =	vld.idx.msk [tilespmem:v7+s10+$0x0], $0xffff;
	[tilespmem:s24+$0x130] =	vst v0  }
0xe2: {  	[tilespmem:s24+$0x30] =	vst v6;
	v13 =	vld.idx.msk [tilespmem:v13+s10+$0x0], $0xffff  }
0xe3: {  	v12 =	vor.u32 v28, v1;
	v8 =	vld.idx.msk [tilespmem:v8+s10+$0x0], $0xffff;
	[tilespmem:$0x1FE60] =	vst v15  }
0xe4: {  	v6 =	vor.u32 v57, v1;
	[tilespmem:s23+$0xFFFFFFE0] =	vst v14  }
0xe5: {  	v3 =	vor.u32 v15, v1;
	[tilespmem:s24+$0xC0] =	vst v5  }
0xe6: {  	v5 =	vld [tilespmem:$0x1FEC0];
	[tilespmem:s24+$0xFFFFFF40] =	vst v9  }
0xe7: {  	v9 =	vld [tilespmem:$0x1FF60];
	[tilespmem:s24+$0x1C0] =	vst v7  }
0xe8: {  	v11 =	vor.u32 v4, v2;
	v0 =	vld.idx.msk [tilespmem:v12+s10+$0x0], $0xffff;
	[tilespmem:s23+$0x160] =	vst v13  }
0xe9: {  	v4 =	vor.u32 v47, v1;
	v6 =	vld.idx.msk [tilespmem:v6+s10+$0x0], $0xffff;
	[tilespmem:s23+$0xFFFFFE60] =	vst v10  }
0xea: {  	v12 =	vor.u32 v34, v2;
	v14 =	vld.idx.msk [tilespmem:v3+s10+$0x0], $0xffff;
	[tilespmem:s24+$0x40] =	vst v8  }
0xeb: {  	v3 =	vor.u32 v54, v1;
	v15 =	vld [tilespmem:$0x1FE70]  }
0xec: {  	v2 =	vor.u32 v5, v2  }
0xed: {  	v5 =	vld.idx.msk [tilespmem:v11+s10+$0x0], $0xffff;
	v11 =	vor.u32 v37, v1  }
0xee: {  	v4 =	vld.idx.msk [tilespmem:v4+s10+$0x0], $0xffff;
	v9 =	vor.u32 v9, v1  }
0xef: {  	v7 =	vor.u32 v29, v1;
	v17 =	vld.idx.msk [tilespmem:v12+s10+$0x0], $0xffff  }
0xf0: {  	[tilespmem:s24+$0xD0] =	vst v6;
	v6 =	vld.idx.msk [tilespmem:v3+s10+$0x0], $0xffff;
	v15 =	vor.u32 v15, v1  }
0xf1: {  	v10 =	vld.idx.msk [tilespmem:v2+s10+$0x0], $0xffff  }
0xf2: {  	v13 =	vor.u32 v33, v1;
	[tilespmem:s23+$0xFFFFFFF0] =	vst v5;
	v5 =	vld.idx.msk [tilespmem:v11+s10+$0x0], $0xffff  }
0xf3: {  	v12 =	vor.u32 v48, v1;
	[tilespmem:s24+$0xFFFFFF50] =	vst v4;
	v8 =	vld.idx.msk [tilespmem:v9+s10+$0x0], $0xffff  }
0xf4: {  	v4 =	vor.u32 v30, v1;
	[tilespmem:s24+$0x1D0] =	vst v14;
	v3 =	vor.u32 v18, v1;
	v9 =	vld.idx.msk [tilespmem:v7+s10+$0x0], $0xffff  }
0xf5: {  	[tilespmem:s23+$0x170] =	vst v17;
	v2 =	vor.u32 v38, v1;
	v11 =	vor.u32 v16, v1;
	v7 =	vld.idx.msk [tilespmem:v15+s10+$0x0], $0xffff  }
.LBB2_5:
0xf6: {  	_ = 	snop  }
0xf7: {  	v13 =	vld.idx.msk [tilespmem:v13+s10+$0x0], $0xffff;
	[tilespmem:s23+$0xFFFFFE70] =	vst v10  }
0xf8: {  	s25 =	sadd.s32 $0x8, s25;
	[tilespmem:s24+$0x140] =	vst v0  }
0xf9: {  	v12 =	vld.idx.msk [tilespmem:v12+s10+$0x0], $0xffff;
	[tilespmem:s24+$0xFFFFFEB0] =	vst v5;
	v10 =	vmov s25  }
0xfa: {  	v15 =	vld.idx.msk [tilespmem:v2+s10+$0x0], $0xffff;
	[tilespmem:s24+$0x50] =	vst v8;
	v8 =	vshrl.u32 v10, $0x3  }
0xfb: {  	[tilespmem:s24+$0xE0] =	vst v9;
	v9 =	vld.idx.msk [tilespmem:v4+s10+$0x0], $0xffff;
	v0 =	vshll.u32 v8, $0x3;
	v8 =	vor.u32 v27, v1  }
0xfc: {  	v10 =	vld.idx.msk [tilespmem:v11+s10+$0x0], $0xffff;
	v11 =	vor.u32 v49, v1  }
0xfd: {  	v14 =	vld.idx.msk [tilespmem:v3+s10+$0x0], $0xffff  }
0xfe: {  	v16 =	vor.u32 v23, v1;
	v3 =	vld [tilespmem:$0x1FED0];
	v4 =	vbroadcast v0, $0x0  }
0xff: {  	[tilespmem:s24+$0xFFFFFE10] =	vst v13;
	v0 =	vld [tilespmem:$0x1FE00]  }
0x100: {  	[tilespmem:s24+$0xFFFFFF60] =	vst v12;
	v17 =	vor.u32 v25, v4;
	v8 =	vld.idx.msk [tilespmem:v8+s10+$0x0], $0xffff  }
0x101: {  	[tilespmem:s24+$0xFFFFFFC0] =	vst v6;
	v12 =	vor.u32 v42, v4;
	v11 =	vld.idx.msk [tilespmem:v11+s10+$0x0], $0xffff  }
0x102: {  	v32 =	vmovc v29;
	v29 =	vmov v57;
	v57 =	vmov v20;
	v20 =	vor.u32 v50, v4;
	[tilespmem:s24+$0x60] =	vst v10;
	v10 =	vld [tilespmem:$0x1FF80]  }
0x103: {  	[tilespmem:s24+$0xFFFFFEC0] =	vst v15;
	v6 =	vor.u32 v60, v4;
	v15 =	vld.idx.msk [tilespmem:v16+s10+$0x0], $0xffff  }
0x104: {  	v33 =	vmov v31;
	v16 =	vld [tilespmem:$0x1FE10]  }
0x105: {  	v31 =	vmovc v30;
	v30 =	vmov v28;
	v28 =	vmov v58;
	v13 =	vor.u32 v3, v4;
	[tilespmem:s24+$0xF0] =	vst v14;
	v14 =	vld.idx.msk [tilespmem:v17+s10+$0x0], $0xffff  }
0x106: {  	[tilespmem:s24+$0x1E0] =	vst v7;
	v5 =	vor.u32 v58, v4;
	v58 =	vmov v21;
	v21 =	vor.u32 v39, v1;
	v12 =	vld.idx.msk [tilespmem:v12+s10+$0x0], $0xffff  }
0x107: {  	[tilespmem:s24+$0x150] =	vst v9;
	v7 =	vor.u32 v0, v1;
	v20 =	vld.idx.msk [tilespmem:v20+s10+$0x0], $0xffff  }
0x108: {  	v17 =	vor.u32 v24, v4;
	v6 =	vld.idx.msk [tilespmem:v6+s10+$0x0], $0xffff  }
0x109: {  	v59 =	vmov v18;
	v61 =	vmov v24;
	v18 =	vor.u32 v51, v4;
	v24 =	vld [tilespmem:$0x1FEA0]  }
0x10a: {  	v13 =	vld.idx.msk [tilespmem:v13+s10+$0x0], $0xffff;
	[tilespmem:s24+$0xFFFFFE20] =	vst v8  }
0x10b: {  	s23 =	smov.u32 s24;
	[tilespmem:s24+$0xFFFFFF70] =	vst v11;
	v11 =	vld.idx.msk [tilespmem:v21+s10+$0x0], $0xffff;
	v21 =	vor.u32 v55, v1;
	s24 =	sadd.s32 $0x400, s24  }
0x10c: {  	v8 =	vor.u32 v43, v4;
	v7 =	vld.idx.msk [tilespmem:v7+s10+$0x0], $0xffff;
	[tilespmem:s24+$0xFFFFFE00] =	vst v14  }
0x10d: {  	v10 =	vor.u32 v10, v4;
	v14 =	vld.idx.msk [tilespmem:v17+s10+$0x0], $0xffff;
	[tilespmem:s24+$0xFFFFFF80] =	vst v20  }
0x10e: {  	v18 =	vld.idx.msk [tilespmem:v18+s10+$0x0], $0xffff  }
0x10f: {  	[tilespmem:s24+$0xFFFFFE80] =	vst v13;
	v13 =	vld [tilespmem:$0x1FF20]  }
0x110: {  	v16 =	vor.u32 v16, v4;
	[tilespmem:s24+$0xFFFFFF00] =	vst v12;
	v20 =	vld.idx.msk [tilespmem:v21+s10+$0x0], $0xffff  }
0x111: {  	v8 =	vld.idx.msk [tilespmem:v8+s10+$0x0], $0xffff  }
0x112: {  	[tilespmem:s23+$0x1F0] =	vst v7;
	v7 =	vld.idx.msk [tilespmem:v10+s10+$0x0], $0xffff  }
0x113: {  	v10 =	vld [tilespmem:$0x1FF70]  }
0x114: {  	v26 =	vmovc v60;
	v60 =	vmov v22;
	v17 =	vor.u32 v22, v4;
	v22 =	vor.u32 v40, v1;
	[tilespmem:s23+$0x70] =	vst v15;
	v15 =	vld [tilespmem:$0x1FE20]  }
0x115: {  	v12 =	vld.idx.msk [tilespmem:v16+s10+$0x0], $0xffff  }
0x116: {  	[tilespmem:s23+$0xFFFFFED0] =	vst v11;
	v11 =	vor.u32 v52, v4;
	v16 =	vld [tilespmem:$0x1FE90]  }
0x117: {  	[tilespmem:s24+$0x80] =	vst v14;
	v14 =	vld [tilespmem:$0x1FF90]  }
0x118: {  	[tilespmem:s24+$0xFFFFFF90] =	vst v18;
	v18 =	vld [tilespmem:$0x1FF40]  }
0x119: {  	v13 =	vor.u32 v13, v4;
	[tilespmem:s24+$0x0] =	vst v7;
	v7 =	vld.idx.msk [tilespmem:v22+s10+$0x0], $0xffff  }
0x11a: {  	[tilespmem:s23+$0xFFFFFFD0] =	vst v20;
	v10 =	vor.u32 v10, v4;
	v22 =	vld [tilespmem:$0x1FF30]  }
0x11b: {  	v11 =	vld.idx.msk [tilespmem:v11+s10+$0x0], $0xffff;
	v16 =	vor.u32 v16, v1  }
0x11c: {  	v15 =	vor.u32 v15, v4;
	[tilespmem:s24+$0x180] =	vst v12;
	v12 =	vld.idx.msk [tilespmem:v17+s10+$0x0], $0xffff  }
0x11d: {  	v9 =	vor.u32 v35, v4;
	[tilespmem:s24+$0x100] =	vst v6;
	v17 =	vld [tilespmem:$0x1FE30]  }
0x11e: {  	v0 =	vor.u32 v53, v4;
	[tilespmem:s24+$0xFFFFFF10] =	vst v8;
	v8 =	vld.idx.msk [tilespmem:v13+s10+$0x0], $0xffff  }
0x11f: {  	v14 =	vor.u32 v14, v4;
	v10 =	vld.idx.msk [tilespmem:v10+s10+$0x0], $0xffff  }
0x120: {  	v6 =	vld.idx.msk [tilespmem:v16+s10+$0x0], $0xffff;
	v16 =	vor.u32 v41, v1  }
0x121: {  	v21 =	vor.u32 v44, v4;
	v15 =	vld.idx.msk [tilespmem:v15+s10+$0x0], $0xffff;
	[tilespmem:s23+$0xFFFFFEE0] =	vst v7  }
0x122: {  	v24 =	vor.u32 v24, v1;
	[tilespmem:s24+$0xFFFFFFA0] =	vst v11;
	v9 =	vld.idx.msk [tilespmem:v9+s10+$0x0], $0xffff  }
0x123: {  	[tilespmem:s24+$0x90] =	vst v12;
	v0 =	vld.idx.msk [tilespmem:v0+s10+$0x0], $0xffff  }
0x124: {  	v63 =	vmov v19;
	v19 =	vor.u32 v19, v4;
	v12 =	vld.idx.msk [tilespmem:v14+s10+$0x0], $0xffff  }
0x125: {  	[tilespmem:s24+$0x110] =	vst v8;
	v7 =	vld.idx.msk [tilespmem:v16+s10+$0x0], $0xffff  }
0x126: {  	v22 =	vor.u32 v22, v4;
	v16 =	vld.idx.msk [tilespmem:v21+s10+$0x0], $0xffff;
	[tilespmem:s23+$0xFFFFFE30] =	vst v6  }
0x127: {  	v13 =	vor.u32 v45, v4;
	[tilespmem:s24+$0x10] =	vst v10;
	v10 =	vld.idx.msk [tilespmem:v24+s10+$0x0], $0xffff  }
0x128: {  	v17 =	vor.u32 v17, v4;
	[tilespmem:s24+$0x190] =	vst v15;
	v15 =	vld [tilespmem:$0x1FEF0]  }
0x129: {  	v14 =	vld.idx.msk [tilespmem:v19+s10+$0x0], $0xffff  }
0x12a: {  	v8 =	vld [tilespmem:$0x1FE40];
	v21 =	vmov v58  }
0x12b: {  	v20 =	vld.idx.msk [tilespmem:v22+s10+$0x0], $0xffff;
	v6 =	vor.u32 v21, v4;
	[tilespmem:s24+$0xFFFFFF20] =	vst v16  }
0x12c: {  	[tilespmem:s23+$0xFFFFFE40] =	vst v10;
	v10 =	vld.idx.msk [tilespmem:v13+s10+$0x0], $0xffff  }
0x12d: {  	v15 =	vor.u32 v15, v1;
	v16 =	vld.idx.msk [tilespmem:v17+s10+$0x0], $0xffff  }
0x12e: {  	v18 =	vor.u32 v18, v4;
	[tilespmem:s24+$0x120] =	vst v14;
	v17 =	vld [tilespmem:$0x1FF50]  }
0x12f: {  	[tilespmem:s24+$0xA0] =	vst v12;
	v5 =	vld.idx.msk [tilespmem:v5+s10+$0x0], $0xffff  }
0x130: {  	[tilespmem:s24+$0xFFFFFE90] =	vst v9;
	v8 =	vor.u32 v8, v4;
	v6 =	vld.idx.msk [tilespmem:v6+s10+$0x0], $0xffff  }
0x131: {  	v9 =	vor.u32 v56, v1;
	[tilespmem:s24+$0xFFFFFF30] =	vst v10;
	v10 =	vld [tilespmem:$0x1FE50]  }
0x132: {  	[tilespmem:s24+$0x20] =	vst v20;
	v12 =	vld.idx.msk [tilespmem:v15+s10+$0x0], $0xffff  }
0x133: {  	v62 =	vmov v23;
	v23 =	vor.u32 v36, v4;
	v20 =	vmov v57;
	v11 =	vld.idx.msk [tilespmem:v18+s10+$0x0], $0xffff  }
0x134: {  	v13 =	vor.u32 v20, v4;
	v15 =	vld [tilespmem:$0x1FEB0];
	[tilespmem:s24+$0x1A0] =	vst v16  }
0x135: {  	[tilespmem:s23+$0xFFFFFEF0] =	vst v7;
	v17 =	vor.u32 v17, v4;
	v8 =	vld.idx.msk [tilespmem:v8+s10+$0x0], $0xffff  }
0x136: {  	v9 =	vld.idx.msk [tilespmem:v9+s10+$0x0], $0xffff;
	[tilespmem:s24+$0xFFFFFFB0] =	vst v0;
	v10 =	vor.u32 v10, v4  }
0x137: {  	v0 =	vld [tilespmem:$0x1FE60];
	[tilespmem:s23+$0xFFFFFE50] =	vst v12;
	v12 =	vor.u32 v33, v1  }
0x138: {  	v14 =	vld.idx.msk [tilespmem:v23+s10+$0x0], $0xffff;
	[tilespmem:s24+$0xB0] =	vst v6  }
0x139: {  	[tilespmem:s24+$0x30] =	vst v11;
	v13 =	vld.idx.msk [tilespmem:v13+s10+$0x0], $0xffff  }
0x13a: {  	v15 =	vor.u32 v15, v1;
	v17 =	vld.idx.msk [tilespmem:v17+s10+$0x0], $0xffff;
	[tilespmem:s24+$0x1B0] =	vst v8  }
0x13b: {  	v19 =	vor.u32 v46, v4;
	v10 =	vld.idx.msk [tilespmem:v10+s10+$0x0], $0xffff  }
0x13c: {  	v12 =	vld.idx.msk [tilespmem:v12+s10+$0x0], $0xffff;
	[tilespmem:s24+$0x130] =	vst v5;
	v5 =	vor.u32 v0, v4  }
0x13d: {  	v8 =	vld [tilespmem:$0x1FF00]  }
0x13e: {  	v57 =	vmov v29;
	[tilespmem:s24+$0xC0] =	vst v13;
	v13 =	vld [tilespmem:$0x1FEC0]  }
0x13f: {  	v58 =	vmov v28;
	v28 =	vmov v30;
	[tilespmem:s24+$0xFFFFFEA0] =	vst v14;
	v11 =	vor.u32 v57, v4;
	v6 =	vld.idx.msk [tilespmem:v15+s10+$0x0], $0xffff  }
0x140: {  	v14 =	vor.u32 v28, v4;
	v15 =	vld.idx.msk [tilespmem:v19+s10+$0x0], $0xffff;
	[tilespmem:s24+$0x1C0] =	vst v10  }
0x141: {  	v18 =	vld.idx.msk [tilespmem:v5+s10+$0x0], $0xffff  }
0x142: {  	v5 =	vld [tilespmem:$0x1FE70]  }
0x143: {  	v16 =	vor.u32 v47, v4  }
0x144: {  	[tilespmem:s23+$0xFFFFFFE0] =	vst v9;
	v9 =	vor.u32 v34, v1;
	v11 =	vld.idx.msk [tilespmem:v11+s10+$0x0], $0xffff  }
0x145: {  	v2 =	vor.u32 v38, v4;
	v3 =	vor.u32 v37, v4;
	v0 =	vld.idx.msk [tilespmem:v14+s10+$0x0], $0xffff;
	v8 =	vor.u32 v8, v1  }
0x146: {  	v7 =	vor.u32 v54, v4;
	[tilespmem:s24+$0x40] =	vst v17;
	v13 =	vor.u32 v13, v1;
	v1 =	vmov v4;
	v4 =	vld [tilespmem:$0x1FF60]  }
0x147: {  	[tilespmem:s24+$0xFFFFFF40] =	vst v15;
	v17 =	vor.u32 v5, v1;
	v5 =	vld [tilespmem:$0x1FE80]  }
0x148: {  	[tilespmem:s23+$0x160] =	vst v12;
	v15 =	vld.idx.msk [tilespmem:v16+s10+$0x0], $0xffff  }
0x149: {  	v19 =	vld.idx.msk [tilespmem:v9+s10+$0x0], $0xffff  }
0x14a: {  	[tilespmem:s23+$0xFFFFFE60] =	vst v6;
	v16 =	vor.u32 v32, v1;
	v14 =	vld.idx.msk [tilespmem:v8+s10+$0x0], $0xffff  }
0x14b: {  	v4 =	vor.u32 v4, v1;
	v10 =	vld.idx.msk [tilespmem:v13+s10+$0x0], $0xffff  }
0x14c: {  	v13 =	vor.u32 v5, v1;
	v5 =	vld.idx.msk [tilespmem:v3+s10+$0x0], $0xffff  }
0x14d: {  	p1 =	slt.u32 s25, $0x38;
	[tilespmem:s24+$0xD0] =	vst v11;
	v3 =	vld [tilespmem:$0x1FEE0]  }
.Ltmp1:
0x14e: {  	[tilespmem:s24+$0xFFFFFF50] =	vst v15;
	(pc) =	sbr.rel @p1 .LBB2_5-.Ltmp1, $4  }
0x14f: {  	v30 =	vmov v31;
	v9 =	vld.idx.msk [tilespmem:v16+s10+$0x0], $0xffff;
	[tilespmem:s23+$0x170] =	vst v19  }
0x150: {  	v31 =	vmovc v33;
	v22 =	vmovc v60;
	v60 =	vmov v26;
	v24 =	vmov v61;
	v29 =	vmov v32;
	[tilespmem:s23+$0xFFFFFFF0] =	vst v14;
	v8 =	vld.idx.msk [tilespmem:v4+s10+$0x0], $0xffff  }
0x151: {  	v23 =	vmov v62;
	v12 =	vor.u32 v48, v1;
	v6 =	vld.idx.msk [tilespmem:v7+s10+$0x0], $0xffff;
	v4 =	vor.u32 v30, v1;
	[tilespmem:s24+$0x1D0] =	vst v18  }
0x152: {  	v19 =	vmovc v63;
	v18 =	vmov v59;
	v7 =	vld.idx.msk [tilespmem:v17+s10+$0x0], $0xffff;
	v11 =	vor.u32 v3, v1;
	v3 =	vor.u32 v59, v1  }
0x153: {  	_ =	sdelay $0x3  }
0x154: {  	v13 =	vld.idx.msk [tilespmem:v13+s10+$0x0], $0xffff  }
0x155: {  	v14 =	vor.u32 v27, v1  }
0x156: {  	v16 =	vld [tilespmem:$0x1FE30]  }
0x157: {  	v63 =	vld [tilespmem:$0x1FE20]  }
0x158: {  	v17 =	vld [tilespmem:$0x1FE10]  }
0x159: {  	v15 =	vld [tilespmem:$0x1FF90];
	[tilespmem:s24+$0xFFFFFE10] =	vst v13  }
0x15a: {  	v13 =	vld.idx.msk [tilespmem:v14+s10+$0x0], $0xffff  }
0x15b: {  	v14 =	vld [tilespmem:$0x1FE90];
	_ =	sdelay $0x4  }
0x15c: {  	v14 =	vor.u32 v14, v1;
	_ =	sdelay $0x3  }
0x15d: {  	[tilespmem:s24+$0xFFFFFE20] =	vst v13  }
0x15e: {  	v13 =	vld.idx.msk [tilespmem:v14+s10+$0x0], $0xffff  }
0x15f: {  	v14 =	vld [tilespmem:$0x1FEA0];
	[tilespmem:s24+$0xFFFFFEB0] =	vst v5  }
0x160: {  	[tilespmem:s23+$0xFFFFFE70] =	vst v10  }
0x161: {  	[tilespmem:s24+$0x50] =	vst v8  }
0x162: {  	[tilespmem:s24+$0x140] =	vst v0  }
0x163: {  	[tilespmem:s24+$0xE0] =	vst v9  }
0x164: {  	v2 =	vld.idx.msk [tilespmem:v2+s10+$0x0], $0xffff;
	v14 =	vor.u32 v14, v1;
	[tilespmem:s24+$0xFFFFFE30] =	vst v13  }
0x165: {  	v9 =	vld [tilespmem:$0x1FEF0];
	_ =	sdelay $0x1  }
0x166: {  	v5 =	vor.u32 v39, v1;
	v10 =	vld.idx.msk [tilespmem:v12+s10+$0x0], $0xffff  }
0x167: {  	v8 =	vor.u32 v55, v1;
	v11 =	vld.idx.msk [tilespmem:v11+s10+$0x0], $0xffff  }
0x168: {  	[tilespmem:s24+$0xFFFFFEC0] =	vst v2;
	v2 =	vor.u32 v49, v1;
	v0 =	vld.idx.msk [tilespmem:v14+s10+$0x0], $0xffff  }
0x169: {  	v4 =	vld.idx.msk [tilespmem:v4+s10+$0x0], $0xffff;
	v9 =	vor.u32 v9, v1  }
0x16a: {  	v3 =	vld.idx.msk [tilespmem:v3+s10+$0x0], $0xffff;
	[tilespmem:s24+$0xFFFFFFC0] =	vst v6  }
0x16b: {  	[tilespmem:s24+$0x1E0] =	vst v7;
	v5 =	vld.idx.msk [tilespmem:v5+s10+$0x0], $0xffff  }
0x16c: {  	[tilespmem:s24+$0xFFFFFF60] =	vst v10;
	v7 =	vld.idx.msk [tilespmem:v8+s10+$0x0], $0xffff  }
0x16d: {  	v2 =	vld.idx.msk [tilespmem:v2+s10+$0x0], $0xffff;
	[tilespmem:s24+$0xFFFFFE40] =	vst v0  }
0x16e: {  	[tilespmem:s24+$0x60] =	vst v11;
	v8 =	vld.idx.msk [tilespmem:v9+s10+$0x0], $0xffff  }
0x16f: {  	v10 =	vld [tilespmem:$0x1FEB0]  }
0x170: {  	v6 =	vor.u32 v40, v1;
	v11 =	vld [tilespmem:$0x1FE00];
	[tilespmem:s24+$0xFFFFFED0] =	vst v5  }
0x171: {  	[tilespmem:s24+$0xFFFFFFD0] =	vst v7  }
0x172: {  	v9 =	vor.u32 v31, v1;
	[tilespmem:s24+$0x150] =	vst v4  }
0x173: {  	[tilespmem:s24+$0xFFFFFE50] =	vst v8  }
0x174: {  	v0 =	vor.u32 v56, v1;
	v7 =	vld [tilespmem:$0x1FF00];
	[tilespmem:s24+$0xF0] =	vst v3  }
0x175: {  	v6 =	vld.idx.msk [tilespmem:v6+s10+$0x0], $0xffff;
	v10 =	vor.u32 v10, v1;
	[tilespmem:s24+$0xFFFFFF70] =	vst v2  }
0x176: {  	v4 =	vor.u32 v41, v1;
	v2 =	vld [tilespmem:$0x1FEC0]  }
0x177: {  	v11 =	vor.u32 v11, v1;
	v8 =	vld.idx.msk [tilespmem:v9+s10+$0x0], $0xffff  }
0x178: {  	v9 =	vor.u32 v34, v1  }
0x179: {  	v5 =	vor.u32 v23, v1;
	v0 =	vld.idx.msk [tilespmem:v0+s10+$0x0], $0xffff  }
0x17a: {  	[tilespmem:s24+$0xFFFFFEE0] =	vst v6;
	v3 =	vld.idx.msk [tilespmem:v10+s10+$0x0], $0xffff;
	v7 =	vor.u32 v7, v1  }
0x17b: {  	v4 =	vld.idx.msk [tilespmem:v4+s10+$0x0], $0xffff;
	v1 =	vor.u32 v2, v1  }
0x17c: {  	v10 =	vld.idx.msk [tilespmem:v11+s10+$0x0], $0xffff;
	[tilespmem:s24+$0x160] =	vst v8  }
0x17d: {  	v11 =	vld.idx.msk [tilespmem:v9+s10+$0x0], $0xffff  }
0x17e: {  	[tilespmem:s24+$0xFFFFFFE0] =	vst v0;
	v2 =	vld.idx.msk [tilespmem:v5+s10+$0x0], $0xffff  }
0x17f: {  	[tilespmem:s24+$0xFFFFFE60] =	vst v3;
	v0 =	vld.idx.msk [tilespmem:v7+s10+$0x0], $0xffff  }
0x180: {  	[tilespmem:s24+$0xFFFFFEF0] =	vst v4;
	v1 =	vld.idx.msk [tilespmem:v1+s10+$0x0], $0xffff  }
0x181: {  	p1 =	sne.s32 s21, $0x63;
	[tilespmem:s24+$0x1F0] =	vst v10  }
.Ltmp2:
0x182: {  	s31 =	sshll.u32 s21, $0x13;
	[tilespmem:s24+$0x170] =	vst v11;
	(pc) =	sbr.rel @p1 .LBB2_8-.Ltmp2, $4  }
0x183: {  	s23 =	sor.u32 s6, s31;
	[tilespmem:s24+$0x70] =	vst v2  }
0x184: {  	s23 =	sshrl.u32 s23, $0x3;
	[tilespmem:s24+$0xFFFFFFF0] =	vst v0  }
0x185: {  	s23 =	sadd.s32 s2, s23;
	[tilespmem:s24+$0xFFFFFE70] =	vst v1  }
0x186: {  	[hbm4b:s23+s13] =	stream.strided.scatter [tilespmem:s15], [sflag:$0x3], $0x2000, s14, s13, $0x38;
	[tilespmem:$0xE400] =	vst v63  }
.Ltmp3:
0x187: {  	(pc) =	sbr.rel .LBB2_9-.Ltmp3, $4  }
0x188: {  	_ =	swait.ge [sflag:s16], $0x2000  }
0x189: {  	v26 =	vld [tilespmem:$0x1FF20]  }
0x18a: {  	[sflag:s16] =	ssyncset.done $0x0;
	v13 =	vld [tilespmem:$0x1FE40]  }
0x18b: {  	v14 =	vld [tilespmem:$0x1FE50];
	[sflag:s16] =	ssyncadd.s32 $0xFFFFE000  }
.LBB2_8:
0x18c: {  	s23 =	sshll.u32 s21, $0x8  }
0x18d: {  	s23 =	sand.u32 $0x3FFFFF00, s23  }
0x18e: {  	s23 =	sadd.s32 $0x100, s23  }
0x18f: {  	[tilespmem:s10], [sflag:$0x1] =	stream.indirect.gather [hbm4b:s4+s9], $0x40, s23, s9, $0xb8;
	[tilespmem:$0xE400] =	vst v63  }
.Ltmp4:
0x190: {  	_ = 	snop;
	(pc) =	sbr.rel @p0 .LBB2_10-.Ltmp4, $4  }
0x191: {  	_ =	swait.ge [sflag:s16], $0x2000  }
0x192: {  	v26 =	vld [tilespmem:$0x1FF20]  }
0x193: {  	[sflag:s16] =	ssyncset.done $0x0;
	v13 =	vld [tilespmem:$0x1FE40]  }
0x194: {  	v14 =	vld [tilespmem:$0x1FE50];
	[sflag:s16] =	ssyncadd.s32 $0xFFFFE000  }
.LBB2_9:
0x195: {  	_ =	swait.ge [sflag:s17], $0x2000  }
0x196: {  	[sflag:s17] =	ssyncset.done $0x0  }
0x197: {  	[sflag:s17] =	ssyncadd.s32 $0xFFFFE000  }
.LBB2_10:
0x198: {  	s24 =	simm.s32 $0x0  }
0x199: {  	v0 =	vmov s24  }
0x19a: {  	v0 =	vshrl.u32 v0, $0x3  }
0x19b: {  	v0 =	vshll.u32 v0, $0x3  }
0x19c: {  	v1 =	vbroadcast v0, $0x0;
	_ =	sdelay $0x1  }
0x19d: {  	v0 =	vor.u32 v60, v1  }
0x19e: {  	v2 =	vor.u32 v17, v1  }
0x19f: {  	v3 =	vor.u32 v24, v1  }
0x1a0: {  	v5 =	vld [tilespmem:$0x1FED0];
	v4 =	vor.u32 v25, v1  }
0x1a1: {  	v10 =	vld [tilespmem:$0x1FF80]  }
0x1a2: {  	v0 =	vld.idx.msk [tilespmem:v0+s11+$0x0], $0xffff  }
0x1a3: {  	v2 =	vld.idx.msk [tilespmem:v2+s11+$0x0], $0xffff  }
0x1a4: {  	v3 =	vld.idx.msk [tilespmem:v3+s11+$0x0], $0xffff  }
0x1a5: {  	v5 =	vor.u32 v5, v1;
	v4 =	vld.idx.msk [tilespmem:v4+s11+$0x0], $0xffff  }
0x1a6: {  	s23 =	simm.s32 $0xC7F0  }
0x1a7: {  	v10 =	vor.u32 v10, v1;
	[tilespmem:s23+$0xFFFFFF10] =	vst v0  }
0x1a8: {  	v7 =	vor.u32 v26, v1;
	[tilespmem:s23+$0xFFFFFF90] =	vst v2  }
0x1a9: {  	v8 =	vor.u32 v63, v1;
	[tilespmem:s23+$0xFFFFFE90] =	vst v3  }
0x1aa: {  	v9 =	vor.u32 v22, v1;
	v5 =	vld.idx.msk [tilespmem:v5+s11+$0x0], $0xffff;
	[tilespmem:s23+$0xFFFFFC10] =	vst v4  }
0x1ab: {  	v6 =	vor.u32 v42, v1;
	v12 =	vld [tilespmem:$0x1FF70]  }
0x1ac: {  	v11 =	vor.u32 v50, v1;
	v10 =	vld.idx.msk [tilespmem:v10+s11+$0x0], $0xffff  }
0x1ad: {  	v0 =	vor.u32 v35, v1;
	v7 =	vld.idx.msk [tilespmem:v7+s11+$0x0], $0xffff  }
0x1ae: {  	v2 =	vor.u32 v19, v1;
	v3 =	vld.idx.msk [tilespmem:v8+s11+$0x0], $0xffff  }
0x1af: {  	v8 =	vld.idx.msk [tilespmem:v9+s11+$0x0], $0xffff;
	v9 =	vor.u32 v16, v1  }
0x1b0: {  	v6 =	vld.idx.msk [tilespmem:v6+s11+$0x0], $0xffff;
	[tilespmem:s23+$0xFFFFFC90] =	vst v5;
	v12 =	vor.u32 v12, v1  }
0x1b1: {  	v11 =	vld.idx.msk [tilespmem:v11+s11+$0x0], $0xffff;
	[tilespmem:s23+$0xFFFFFE10] =	vst v10  }
0x1b2: {  	v4 =	vor.u32 v15, v1;
	v0 =	vld.idx.msk [tilespmem:v0+s11+$0x0], $0xffff;
	[tilespmem:s23+$0xFFFFFF20] =	vst v7  }
0x1b3: {  	[tilespmem:s23+$0xFFFFFFA0] =	vst v3;
	v2 =	vld.idx.msk [tilespmem:v2+s11+$0x0], $0xffff  }
0x1b4: {  	v5 =	vor.u32 v43, v1;
	[tilespmem:s23+$0xFFFFFEA0] =	vst v8;
	v8 =	vld.idx.msk [tilespmem:v9+s11+$0x0], $0xffff  }
0x1b5: {  	[tilespmem:s23+$0xFFFFFD10] =	vst v6;
	v10 =	vld.idx.msk [tilespmem:v12+s11+$0x0], $0xffff  }
0x1b6: {  	v12 =	vld [tilespmem:$0x1FF30]  }
0x1b7: {  	v3 =	vor.u32 v58, v1;
	v4 =	vld.idx.msk [tilespmem:v4+s11+$0x0], $0xffff  }
0x1b8: {  	v9 =	vor.u32 v13, v1;
	[tilespmem:s23+$0xFFFFFCA0] =	vst v0  }
0x1b9: {  	v6 =	vor.u32 v21, v1;
	v0 =	vld.idx.msk [tilespmem:v5+s11+$0x0], $0xffff;
	[tilespmem:s23+$0xFFFFFD90] =	vst v11  }
0x1ba: {  	[tilespmem:s23+$0xFFFFFF30] =	vst v2  }
0x1bb: {  	[tilespmem:s23+$0xFFFFFFB0] =	vst v8;
	v12 =	vor.u32 v12, v1  }
0x1bc: {  	v5 =	vor.u32 v44, v1;
	[tilespmem:s23+$0xFFFFFEB0] =	vst v4;
	v3 =	vld.idx.msk [tilespmem:v3+s11+$0x0], $0xffff  }
0x1bd: {  	v4 =	vld.idx.msk [tilespmem:v9+s11+$0x0], $0xffff;
	[tilespmem:s23+$0xFFFFFE20] =	vst v10  }
0x1be: {  	v2 =	vor.u32 v51, v1;
	v6 =	vld.idx.msk [tilespmem:v6+s11+$0x0], $0xffff;
	[tilespmem:s23+$0xFFFFFD20] =	vst v0  }
0x1bf: {  	v8 =	vor.u32 v28, v1;
	v11 =	vld [tilespmem:$0x1FF40]  }
0x1c0: {  	v9 =	vor.u32 v14, v1;
	v10 =	vld.idx.msk [tilespmem:v12+s11+$0x0], $0xffff  }
0x1c1: {  	v5 =	vld.idx.msk [tilespmem:v5+s11+$0x0], $0xffff  }
0x1c2: {  	[tilespmem:s23+$0xFFFFFF40] =	vst v3  }
0x1c3: {  	v0 =	vor.u32 v20, v1;
	v2 =	vld.idx.msk [tilespmem:v2+s11+$0x0], $0xffff;
	[tilespmem:s23+$0xFFFFFFC0] =	vst v4  }
0x1c4: {  	[tilespmem:s23+$0xFFFFFEC0] =	vst v6;
	v8 =	vld.idx.msk [tilespmem:v8+s11+$0x0], $0xffff;
	v11 =	vor.u32 v11, v1  }
0x1c5: {  	v7 =	vor.u32 v36, v1;
	v4 =	vld.idx.msk [tilespmem:v9+s11+$0x0], $0xffff;
	[tilespmem:s23+$0xFFFFFE30] =	vst v10  }
0x1c6: {  	v12 =	vor.u32 v45, v1;
	v9 =	vld [tilespmem:$0x1FE60];
	[tilespmem:s23+$0xFFFFFD30] =	vst v5  }
0x1c7: {  	v3 =	vor.u32 v52, v1;
	v5 =	vld [tilespmem:$0x1FF50]  }
0x1c8: {  	v6 =	vor.u32 v30, v1;
	v0 =	vld.idx.msk [tilespmem:v0+s11+$0x0], $0xffff  }
0x1c9: {  	v10 =	vor.u32 v57, v1;
	v11 =	vld.idx.msk [tilespmem:v11+s11+$0x0], $0xffff  }
0x1ca: {  	v7 =	vld.idx.msk [tilespmem:v7+s11+$0x0], $0xffff;
	[tilespmem:s23+$0xFFFFFDA0] =	vst v2  }
0x1cb: {  	v2 =	vld.idx.msk [tilespmem:v12+s11+$0x0], $0xffff;
	[tilespmem:s23+$0xFFFFFF50] =	vst v8;
	v9 =	vor.u32 v9, v1  }
0x1cc: {  	[tilespmem:s23+$0xFFFFFFD0] =	vst v4;
	v3 =	vld.idx.msk [tilespmem:v3+s11+$0x0], $0xffff;
	v5 =	vor.u32 v5, v1  }
0x1cd: {  	[tilespmem:s23+$0xFFFFFED0] =	vst v0;
	v6 =	vld.idx.msk [tilespmem:v6+s11+$0x0], $0xffff  }
0x1ce: {  	v10 =	vld.idx.msk [tilespmem:v10+s11+$0x0], $0xffff;
	[tilespmem:s23+$0xFFFFFE40] =	vst v11  }
0x1cf: {  	v0 =	vld [tilespmem:$0x1FE70]  }
0x1d0: {  	v12 =	vor.u32 v46, v1;
	[tilespmem:s23+$0xFFFFFD40] =	vst v2;
	v4 =	vld.idx.msk [tilespmem:v9+s11+$0x0], $0xffff  }
0x1d1: {  	v8 =	vor.u32 v53, v1;
	[tilespmem:s23+$0xFFFFFDB0] =	vst v3;
	v5 =	vld.idx.msk [tilespmem:v5+s11+$0x0], $0xffff  }
0x1d2: {  	v2 =	vld [tilespmem:$0x1FF60];
	[tilespmem:s23+$0xFFFFFF60] =	vst v6  }
0x1d3: {  	[tilespmem:s23+$0xFFFFFCB0] =	vst v7  }
0x1d4: {  	[tilespmem:s23+$0xFFFFFEE0] =	vst v10  }
0x1d5: {  	v13 =	vor.u32 v29, v1;
	v11 =	vor.u32 v0, v1;
	v0 =	vld.idx.msk [tilespmem:v12+s11+$0x0], $0xffff;
	[tilespmem:s23+$0xFFFFFFE0] =	vst v4  }
0x1d6: {  	v12 =	vld.idx.msk [tilespmem:v8+s11+$0x0], $0xffff;
	[tilespmem:s23+$0xFFFFFE50] =	vst v5  }
0x1d7: {  	v5 =	vld [tilespmem:$0x1FE80]  }
0x1d8: {  	v9 =	vor.u32 v31, v1;
	_ =	sdelay $0x1  }
0x1d9: {  	v14 =	vor.u32 v37, v1;
	v7 =	vld.idx.msk [tilespmem:v13+s11+$0x0], $0xffff  }
0x1da: {  	v15 =	vor.u32 v2, v1;
	v58 =	vld [tilespmem:$0x1FEE0];
	[tilespmem:s23+$0xFFFFFDC0] =	vst v12  }
0x1db: {  	v63 =	vor.u32 v54, v1;
	v13 =	vor.u32 v5, v1;
	v5 =	vld [tilespmem:$0x1FE00]  }
0x1dc: {  	v2 =	vld.idx.msk [tilespmem:v9+s11+$0x0], $0xffff  }
0x1dd: {  	v8 =	vld.idx.msk [tilespmem:v11+s11+$0x0], $0xffff  }
0x1de: {  	v11 =	vld.idx.msk [tilespmem:v14+s11+$0x0], $0xffff  }
0x1df: {  	v60 =	vmov v22;
	v4 =	vor.u32 v38, v1;
	v9 =	vor.u32 v18, v1;
	v6 =	vld.idx.msk [tilespmem:v15+s11+$0x0], $0xffff  }
0x1e0: {  	s25 =	simm.s32 $0xC7F0;
	v12 =	vor.u32 v47, v1;
	v3 =	vor.u32 v58, v1;
	v10 =	vor.u32 v5, v1;
	v5 =	vld.idx.msk [tilespmem:v63+s11+$0x0], $0xffff  }
.LBB2_11:
0x1e1: {  	_ =	sdelay $0x2  }
0x1e2: {  	v13 =	vld.idx.msk [tilespmem:v13+s11+$0x0], $0xffff  }
0x1e3: {  	[tilespmem:s23+$0xFFFFFD50] =	vst v0;
	v31 =	vld [tilespmem:$0x1FEB0]  }
0x1e4: {  	v14 =	vor.u32 v55, v1;
	[tilespmem:s23+$0xFFFFFCC0] =	vst v11;
	v12 =	vld.idx.msk [tilespmem:v12+s11+$0x0], $0xffff  }
0x1e5: {  	s24 =	sadd.s32 $0x8, s24;
	v15 =	vld.idx.msk [tilespmem:v4+s11+$0x0], $0xffff;
	[tilespmem:s23+$0xFFFFFFF0] =	vst v8  }
0x1e6: {  	v11 =	vor.u32 v27, v1;
	v0 =	vmov s24;
	[tilespmem:s23+$0xFFFFFEF0] =	vst v7;
	v10 =	vld.idx.msk [tilespmem:v10+s11+$0x0], $0xffff  }
0x1e7: {  	v0 =	vshrl.u32 v0, $0x3;
	[tilespmem:s23+$0xFFFFFE60] =	vst v6;
	v9 =	vld.idx.msk [tilespmem:v9+s11+$0x0], $0xffff  }
0x1e8: {  	v0 =	vshll.u32 v0, $0x3;
	[tilespmem:s23+$0xFFFFFDD0] =	vst v5;
	v18 =	vld.idx.msk [tilespmem:v3+s11+$0x0], $0xffff  }
0x1e9: {  	v17 =	vor.u32 v48, v1;
	v0 =	vbroadcast v0, $0x0;
	v14 =	vld.idx.msk [tilespmem:v14+s11+$0x0], $0xffff  }
0x1ea: {  	v3 =	vld [tilespmem:$0x1FED0];
	[tilespmem:s23+$0xFFFFFC20] =	vst v13  }
0x1eb: {  	v19 =	vor.u32 v25, v0;
	v11 =	vld.idx.msk [tilespmem:v11+s11+$0x0], $0xffff  }
0x1ec: {  	v29 =	vmov v27;
	v27 =	vmov v25;
	v22 =	vor.u32 v42, v0;
	v25 =	vld [tilespmem:$0x1FE30]  }
0x1ed: {  	[tilespmem:s23+$0xFFFFFD60] =	vst v12;
	v13 =	vor.u32 v50, v0;
	v57 =	vor.u32 v24, v0;
	v24 =	vor.u32 v26, v0;
	v26 =	vld [tilespmem:$0x1FFE0]  }
0x1ee: {  	v17 =	vld.idx.msk [tilespmem:v17+s11+$0x0], $0xffff  }
0x1ef: {  	v20 =	vor.u32 v3, v0;
	v3 =	vld [tilespmem:$0x1FF80]  }
0x1f0: {  	[tilespmem:s23+$0xFFFFFF00] =	vst v9;
	v9 =	vld.idx.msk [tilespmem:v19+s11+$0x0], $0xffff  }
0x1f1: {  	[tilespmem:s23+$0xFFFFFDE0] =	vst v14;
	v14 =	vld.idx.msk [tilespmem:v22+s11+$0x0], $0xffff  }
0x1f2: {  	v16 =	vor.u32 v39, v1;
	v13 =	vld.idx.msk [tilespmem:v13+s11+$0x0], $0xffff  }
0x1f3: {  	[tilespmem:s23+$0xFFFFFC30] =	vst v11;
	v11 =	vor.u32 v56, v1;
	v56 =	vld.idx.msk [tilespmem:v57+s11+$0x0], $0xffff  }
0x1f4: {  	v63 =	vld.idx.msk [tilespmem:v20+s11+$0x0], $0xffff  }
0x1f5: {  	[tilespmem:s23+$0x0] =	vst v10;
	v20 =	vld [tilespmem:$0x1FFC0]  }
0x1f6: {  	v10 =	vor.u32 v3, v0;
	[tilespmem:s23+$0xFFFFFCD0] =	vst v15;
	v15 =	vld [tilespmem:$0x1FE10]  }
0x1f7: {  	[tilespmem:s23+$0xFFFFFE70] =	vst v18;
	s23 =	sadd.s32 $0x400, s23;
	v16 =	vld.idx.msk [tilespmem:v16+s11+$0x0], $0xffff  }
0x1f8: {  	v18 =	vor.u32 v60, v0;
	[tilespmem:s23+$0xFFFFFC10] =	vst v9;
	v9 =	vld [tilespmem:$0x1FF70]  }
0x1f9: {  	v12 =	vor.u32 v35, v0;
	[tilespmem:s23+$0xFFFFFD10] =	vst v14;
	v14 =	vld [tilespmem:$0x1FE20]  }
0x1fa: {  	[tilespmem:s23+$0xFFFFFE90] =	vst v56;
	v56 =	vld [tilespmem:$0x1FE90];
	v20 =	vor.u32 v20, v0  }
0x1fb: {  	[tilespmem:s23+$0xFFFFFD90] =	vst v13;
	v15 =	vor.u32 v15, v0;
	v10 =	vld.idx.msk [tilespmem:v10+s11+$0x0], $0xffff  }
0x1fc: {  	v57 =	vor.u32 v23, v1;
	v11 =	vld.idx.msk [tilespmem:v11+s11+$0x0], $0xffff;
	[tilespmem:s23+$0xFFFFFC90] =	vst v63  }
0x1fd: {  	v23 =	vor.u32 v40, v1;
	v18 =	vld.idx.msk [tilespmem:v18+s11+$0x0], $0xffff;
	[tilespmem:s25+$0xFFFFFCE0] =	vst v16  }
0x1fe: {  	v12 =	vld.idx.msk [tilespmem:v12+s11+$0x0], $0xffff  }
0x1ff: {  	[tilespmem:s25+$0xFFFFFD70] =	vst v17;
	v17 =	vor.u32 v56, v1;
	v20 =	vld.idx.msk [tilespmem:v20+s11+$0x0], $0xffff  }
0x200: {  	v15 =	vld.idx.msk [tilespmem:v15+s11+$0x0], $0xffff;
	[tilespmem:s23+$0xFFFFFE10] =	vst v10  }
0x201: {  	v63 =	vor.u32 v36, v0;
	v10 =	vld.idx.msk [tilespmem:v57+s11+$0x0], $0xffff  }
0x202: {  	v57 =	vld.idx.msk [tilespmem:v23+s11+$0x0], $0xffff  }
0x203: {  	v23 =	vld [tilespmem:$0x1FF30]  }
0x204: {  	[tilespmem:s25+$0xFFFFFDF0] =	vst v11;
	v11 =	vld.idx.msk [tilespmem:v17+s11+$0x0], $0xffff  }
0x205: {  	v14 =	vor.u32 v14, v0;
	[tilespmem:s23+$0xFFFFFCA0] =	vst v12;
	v12 =	vld [tilespmem:$0x1FFD0]  }
0x206: {  	v22 =	vor.u32 v43, v0;
	v16 =	vld.idx.msk [tilespmem:v63+s11+$0x0], $0xffff  }
0x207: {  	v63 =	vld [tilespmem:$0x1FEA0]  }
0x208: {  	[tilespmem:s23+$0xFFFFFF10] =	vst v20;
	v20 =	vld [tilespmem:$0x1FF90]  }
0x209: {  	v8 =	vor.u32 v52, v0;
	v9 =	vor.u32 v9, v0;
	[tilespmem:s23+$0xFFFFFF90] =	vst v15;
	v24 =	vld.idx.msk [tilespmem:v24+s11+$0x0], $0xffff  }
0x20a: {  	v5 =	vor.u32 v54, v0;
	v4 =	vor.u32 v38, v0;
	v21 =	vor.u32 v51, v0;
	v14 =	vld.idx.msk [tilespmem:v14+s11+$0x0], $0xffff  }
0x20b: {  	v6 =	vor.u32 v37, v0;
	v15 =	vor.u32 v41, v1;
	[tilespmem:s25+$0xFFFFFE80] =	vst v10;
	v10 =	vld.idx.msk [tilespmem:v22+s11+$0x0], $0xffff  }
0x20c: {  	v7 =	vor.u32 v46, v0;
	v25 =	vor.u32 v25, v0;
	v19 =	vor.u32 v53, v0;
	v22 =	vld [tilespmem:$0x1FF40]  }
0x20d: {  	v13 =	vor.u32 v44, v0;
	v56 =	vmovc v55;
	v55 =	vmov v54;
	[tilespmem:s25+$0xFFFFFCF0] =	vst v57;
	v57 =	vmov v34;
	v34 =	vld [tilespmem:$0x1FEC0]  }
0x20e: {  	v54 =	vmovc v53;
	v53 =	vmovc v52;
	v52 =	vmov v51;
	v51 =	vmov v50;
	v12 =	vor.u32 v12, v0;
	v9 =	vld.idx.msk [tilespmem:v9+s11+$0x0], $0xffff  }
0x20f: {  	[tilespmem:s23+$0xFFFFFEA0] =	vst v18;
	v17 =	vor.u32 v45, v0;
	v18 =	vor.u32 v63, v1;
	v63 =	vld [tilespmem:$0x1FE80];
	v20 =	vor.u32 v20, v0  }
0x210: {  	v50 =	vmovc v49;
	v15 =	vld.idx.msk [tilespmem:v15+s11+$0x0], $0xffff;
	[tilespmem:s23+$0xFFFFFF20] =	vst v24;
	v24 =	vor.u32 v49, v1;
	v49 =	vmov v48;
	v48 =	vmov v47  }
0x211: {  	v47 =	vmovc v46;
	v46 =	vmovc v45;
	v45 =	vmov v44;
	v44 =	vmov v43;
	v43 =	vmov v42;
	[tilespmem:s23+$0xFFFFFFA0] =	vst v14;
	v14 =	vld [tilespmem:$0x1FFA0]  }
0x212: {  	v42 =	vmovc v41;
	v41 =	vmovc v40;
	v40 =	vmov v39;
	v39 =	vmov v38;
	v38 =	vmov v37;
	v37 =	vld [tilespmem:$0x1FEF0]  }
0x213: {  	v12 =	vld.idx.msk [tilespmem:v12+s11+$0x0], $0xffff  }
0x214: {  	[tilespmem:s23+$0xFFFFFCB0] =	vst v16;
	v16 =	vld.idx.msk [tilespmem:v25+s11+$0x0], $0xffff  }
0x215: {  	[tilespmem:s25+$0xFFFFFC40] =	vst v11;
	v25 =	vld [tilespmem:$0x1FE40]  }
0x216: {  	v23 =	vor.u32 v23, v0;
	[tilespmem:s23+$0xFFFFFD20] =	vst v10;
	v10 =	vld.idx.msk [tilespmem:v18+s11+$0x0], $0xffff  }
0x217: {  	v20 =	vld.idx.msk [tilespmem:v20+s11+$0x0], $0xffff;
	v18 =	vor.u32 v37, v1;
	v37 =	vmovc v38;
	v38 =	vmovc v39;
	v39 =	vmov v40;
	v40 =	vmov v41  }
0x218: {  	[tilespmem:s25+$0xFFFFFD00] =	vst v15;
	v15 =	vld.idx.msk [tilespmem:v21+s11+$0x0], $0xffff;
	v41 =	vmovc v42;
	v42 =	vmovc v43;
	v43 =	vmov v44;
	v44 =	vmov v45;
	v45 =	vmov v46  }
0x219: {  	v11 =	vld.idx.msk [tilespmem:v24+s11+$0x0], $0xffff;
	v46 =	vmovc v47;
	v47 =	vmovc v48;
	v48 =	vmov v49;
	v49 =	vmov v50;
	v50 =	vmov v51  }
0x21a: {  	[tilespmem:s23+$0xFFFFFE20] =	vst v9;
	v51 =	vmovc v52;
	v52 =	vmovc v53;
	v53 =	vmov v54;
	v54 =	vmov v55;
	v55 =	vmov v56;
	v56 =	vld [tilespmem:$0x1FF10]  }
0x21b: {  	v26 =	vor.u32 v26, v0;
	[tilespmem:s23+$0xFFFFFF30] =	vst v12;
	v12 =	vld [tilespmem:$0x1FFF0]  }
0x21c: {  	[tilespmem:s23+$0xFFFFFFB0] =	vst v16;
	v16 =	vld.idx.msk [tilespmem:v23+s11+$0x0], $0xffff  }
0x21d: {  	v14 =	vor.u32 v14, v0;
	[tilespmem:s25+$0xFFFFFC50] =	vst v10;
	v10 =	vld [tilespmem:$0x1FE50]  }
0x21e: {  	[tilespmem:s23+$0xFFFFFEB0] =	vst v20;
	v20 =	vld [tilespmem:$0x1FF50]  }
0x21f: {  	v25 =	vor.u32 v25, v0;
	[tilespmem:s23+$0xFFFFFDA0] =	vst v15;
	v15 =	vld [tilespmem:$0x1FFB0]  }
0x220: {  	v21 =	vld.idx.msk [tilespmem:v26+s11+$0x0], $0xffff;
	[tilespmem:s25+$0xFFFFFD80] =	vst v11  }
0x221: {  	v11 =	vld.idx.msk [tilespmem:v13+s11+$0x0], $0xffff  }
0x222: {  	v14 =	vld.idx.msk [tilespmem:v14+s11+$0x0], $0xffff;
	v12 =	vor.u32 v12, v0  }
0x223: {  	v23 =	vor.u32 v28, v0;
	v18 =	vld.idx.msk [tilespmem:v18+s11+$0x0], $0xffff  }
0x224: {  	v9 =	vld.idx.msk [tilespmem:v25+s11+$0x0], $0xffff  }
0x225: {  	v8 =	vld.idx.msk [tilespmem:v8+s11+$0x0], $0xffff;
	v10 =	vor.u32 v10, v0;
	[tilespmem:s23+$0xFFFFFEC0] =	vst v21  }
0x226: {  	v22 =	vor.u32 v22, v0;
	[tilespmem:s23+$0xFFFFFD30] =	vst v11;
	v11 =	vld [tilespmem:$0x1FE60]  }
0x227: {  	v13 =	vor.u32 v31, v1;
	[tilespmem:s23+$0xFFFFFF40] =	vst v14;
	v12 =	vld.idx.msk [tilespmem:v12+s11+$0x0], $0xffff  }
0x228: {  	v14 =	vld.idx.msk [tilespmem:v23+s11+$0x0], $0xffff  }
0x229: {  	v15 =	vor.u32 v15, v0;
	[tilespmem:s23+$0xFFFFFFC0] =	vst v9;
	v9 =	vld [tilespmem:$0x1FF00]  }
0x22a: {  	[tilespmem:s23+$0xFFFFFE30] =	vst v16;
	v21 =	vor.u32 v30, v0;
	v10 =	vld.idx.msk [tilespmem:v10+s11+$0x0], $0xffff  }
0x22b: {  	v16 =	vld.idx.msk [tilespmem:v22+s11+$0x0], $0xffff;
	[tilespmem:s25+$0xFFFFFC60] =	vst v18;
	v11 =	vor.u32 v11, v0  }
0x22c: {  	[tilespmem:s23+$0xFFFFFDB0] =	vst v8;
	v13 =	vld.idx.msk [tilespmem:v13+s11+$0x0], $0xffff  }
0x22d: {  	v20 =	vor.u32 v20, v0;
	v17 =	vld.idx.msk [tilespmem:v17+s11+$0x0], $0xffff;
	[tilespmem:s23+$0xFFFFFED0] =	vst v12  }
0x22e: {  	v8 =	vor.u32 v34, v1;
	[tilespmem:s23+$0xFFFFFF50] =	vst v14;
	v12 =	vld.idx.msk [tilespmem:v15+s11+$0x0], $0xffff  }
0x22f: {  	v9 =	vor.u32 v9, v1;
	v14 =	vld.idx.msk [tilespmem:v21+s11+$0x0], $0xffff;
	[tilespmem:s23+$0xFFFFFFD0] =	vst v10  }
0x230: {  	v10 =	vld.idx.msk [tilespmem:v11+s11+$0x0], $0xffff  }
0x231: {  	v3 =	vor.u32 v58, v0;
	[tilespmem:s23+$0xFFFFFE40] =	vst v16;
	v11 =	vor.u32 v57, v1;
	v1 =	vmov v0;
	v0 =	vld [tilespmem:$0x1FE70]  }
0x232: {  	[tilespmem:s25+$0xFFFFFC70] =	vst v13;
	v15 =	vld.idx.msk [tilespmem:v20+s11+$0x0], $0xffff  }
0x233: {  	v18 =	vld.idx.msk [tilespmem:v8+s11+$0x0], $0xffff  }
0x234: {  	[tilespmem:s23+$0xFFFFFD40] =	vst v17;
	v9 =	vld.idx.msk [tilespmem:v9+s11+$0x0], $0xffff  }
0x235: {  	[tilespmem:s25+$0xFFFFFF70] =	vst v2;
	v2 =	vld [tilespmem:$0x1FF60]  }
0x236: {  	[tilespmem:s23+$0xFFFFFF60] =	vst v14;
	v17 =	vor.u32 v0, v1;
	v0 =	vld.idx.msk [tilespmem:v7+s11+$0x0], $0xffff  }
0x237: {  	v16 =	vor.u32 v33, v1;
	v14 =	vld.idx.msk [tilespmem:v11+s11+$0x0], $0xffff  }
0x238: {  	v11 =	vld.idx.msk [tilespmem:v6+s11+$0x0], $0xffff  }
0x239: {  	v7 =	vor.u32 v32, v1;
	[tilespmem:s25+$0xFFFFFE00] =	vst v9;
	v6 =	vld [tilespmem:$0x1FE00]  }
0x23a: {  	v34 =	vmov v57;
	v57 =	vor.u32 v2, v1;
	v9 =	vld.idx.msk [tilespmem:v19+s11+$0x0], $0xffff  }
0x23b: {  	p0 =	slt.u32 s24, $0x38;
	v26 =	vld [tilespmem:$0x1FF20];
	[tilespmem:s23+$0xFFFFFEE0] =	vst v12  }
.Ltmp5:
0x23c: {  	[tilespmem:s23+$0xFFFFFFE0] =	vst v10;
	v2 =	vld.idx.msk [tilespmem:v16+s11+$0x0], $0xffff;
	(pc) =	sbr.rel @p0 .LBB2_11-.Ltmp5, $4  }
0x23d: {  	[tilespmem:s25+$0xFFFFFC80] =	vst v18;
	v8 =	vld.idx.msk [tilespmem:v17+s11+$0x0], $0xffff  }
0x23e: {  	v24 =	vmov v61;
	v25 =	vmov v27;
	[tilespmem:s23+$0xFFFFFE50] =	vst v15;
	v7 =	vld.idx.msk [tilespmem:v7+s11+$0x0], $0xffff  }
0x23f: {  	v27 =	vmov v29;
	v13 =	vor.u32 v63, v1;
	v10 =	vor.u32 v6, v1;
	v6 =	vld.idx.msk [tilespmem:v57+s11+$0x0], $0xffff;
	[tilespmem:s23+$0xFFFFFDC0] =	vst v9  }
0x240: {  	v23 =	vmov v62;
	v12 =	vor.u32 v47, v1;
	[tilespmem:s25+$0xFFFFFF80] =	vst v14;
	s25 =	smov.u32 s23;
	v9 =	vor.u32 v59, v1;
	v5 =	vld.idx.msk [tilespmem:v5+s11+$0x0], $0xffff  }
0x241: {  	_ =	sdelay $0x3  }
0x242: {  	v13 =	vld.idx.msk [tilespmem:v13+s11+$0x0], $0xffff  }
0x243: {  	v14 =	vor.u32 v27, v1;
	_ =	sdelay $0x3  }
0x244: {  	[tilespmem:s23+$0xFFFFFC20] =	vst v13  }
0x245: {  	v13 =	vld.idx.msk [tilespmem:v14+s11+$0x0], $0xffff  }
0x246: {  	v14 =	vld [tilespmem:$0x1FE90];
	_ =	sdelay $0x4  }
0x247: {  	v14 =	vor.u32 v14, v1;
	_ =	sdelay $0x3  }
0x248: {  	[tilespmem:s23+$0xFFFFFC30] =	vst v13  }
0x249: {  	v13 =	vld.idx.msk [tilespmem:v14+s11+$0x0], $0xffff  }
0x24a: {  	v14 =	vld [tilespmem:$0x1FEA0];
	_ =	sdelay $0x1  }
0x24b: {  	[tilespmem:s23+$0xFFFFFCC0] =	vst v11  }
0x24c: {  	[tilespmem:s23+$0xFFFFFD50] =	vst v0  }
0x24d: {  	[tilespmem:s23+$0xFFFFFFF0] =	vst v8  }
0x24e: {  	v4 =	vld.idx.msk [tilespmem:v4+s11+$0x0], $0xffff;
	v14 =	vor.u32 v14, v1;
	[tilespmem:s25+$0xFFFFFC40] =	vst v13  }
0x24f: {  	v16 =	vld [tilespmem:$0x1FEF0]  }
0x250: {  	v62 =	vor.u32 v39, v1  }
0x251: {  	v63 =	vor.u32 v55, v1  }
0x252: {  	v12 =	vld.idx.msk [tilespmem:v12+s11+$0x0], $0xffff  }
0x253: {  	v13 =	vld.idx.msk [tilespmem:v14+s11+$0x0], $0xffff  }
0x254: {  	v29 =	vmov v32;
	v31 =	vmov v33;
	v33 =	vld.idx.msk [tilespmem:v10+s11+$0x0], $0xffff;
	[tilespmem:s23+$0xFFFFFCD0] =	vst v4;
	v32 =	vor.u32 v16, v1  }
0x255: {  	[tilespmem:s23+$0xFFFFFDD0] =	vst v5;
	v4 =	vld.idx.msk [tilespmem:v62+s11+$0x0], $0xffff  }
0x256: {  	[tilespmem:s23+$0xFFFFFEF0] =	vst v7;
	v0 =	vld.idx.msk [tilespmem:v63+s11+$0x0], $0xffff  }
0x257: {  	[tilespmem:s23+$0xFFFFFE60] =	vst v6;
	v9 =	vld.idx.msk [tilespmem:v9+s11+$0x0], $0xffff  }
0x258: {  	v58 =	vor.u32 v48, v1;
	v3 =	vld.idx.msk [tilespmem:v3+s11+$0x0], $0xffff;
	[tilespmem:s25+$0xFFFFFC50] =	vst v13  }
0x259: {  	v57 =	vor.u32 v40, v1;
	[tilespmem:s23+$0xFFFFFD60] =	vst v12;
	v8 =	vld.idx.msk [tilespmem:v32+s11+$0x0], $0xffff  }
0x25a: {  	v61 =	vld [tilespmem:$0x1FEB0];
	[tilespmem:s25+$0xFFFFFCE0] =	vst v4  }
0x25b: {  	[tilespmem:s23+$0x0] =	vst v33  }
0x25c: {  	[tilespmem:s23+$0xFFFFFDE0] =	vst v0  }
0x25d: {  	v18 =	vmov v59;
	v59 =	vor.u32 v56, v1;
	v7 =	vld.idx.msk [tilespmem:v58+s11+$0x0], $0xffff;
	[tilespmem:s23+$0xFFFFFF00] =	vst v9  }
0x25e: {  	v62 =	vor.u32 v23, v1;
	v5 =	vld.idx.msk [tilespmem:v57+s11+$0x0], $0xffff;
	[tilespmem:s25+$0xFFFFFC60] =	vst v8  }
0x25f: {  	v11 =	vor.u32 v61, v1;
	v58 =	vld [tilespmem:$0x1FF00];
	[tilespmem:s23+$0xFFFFFE70] =	vst v3  }
0x260: {  	v3 =	vld [tilespmem:$0x1FEC0]  }
0x261: {  	v63 =	vor.u32 v41, v1  }
0x262: {  	v6 =	vld.idx.msk [tilespmem:v59+s11+$0x0], $0xffff;
	v57 =	vor.u32 v49, v1  }
0x263: {  	v4 =	vld.idx.msk [tilespmem:v62+s11+$0x0], $0xffff;
	v62 =	vor.u32 v34, v1  }
0x264: {  	v61 =	vld.idx.msk [tilespmem:v11+s11+$0x0], $0xffff;
	v59 =	vor.u32 v58, v1  }
0x265: {  	[tilespmem:s25+$0xFFFFFCF0] =	vst v5;
	v3 =	vor.u32 v3, v1  }
0x266: {  	[tilespmem:s25+$0xFFFFFD70] =	vst v7;
	v0 =	vld.idx.msk [tilespmem:v63+s11+$0x0], $0xffff  }
0x267: {  	[tilespmem:s25+$0xFFFFFF70] =	vst v2;
	v63 =	vld.idx.msk [tilespmem:v57+s11+$0x0], $0xffff  }
0x268: {  	[tilespmem:s25+$0xFFFFFDF0] =	vst v6;
	v1 =	vld.idx.msk [tilespmem:v62+s11+$0x0], $0xffff  }
0x269: {  	[tilespmem:s25+$0xFFFFFC70] =	vst v61;
	v6 =	vld.idx.msk [tilespmem:v59+s11+$0x0], $0xffff  }
0x26a: {  	[tilespmem:s25+$0xFFFFFE80] =	vst v4;
	v3 =	vld.idx.msk [tilespmem:v3+s11+$0x0], $0xffff  }
0x26b: {  	[tilespmem:s25+$0xFFFFFD00] =	vst v0  }
0x26c: {  	[tilespmem:s25+$0xFFFFFD80] =	vst v63  }
0x26d: {  	[tilespmem:s25+$0xFFFFFF80] =	vst v1  }
0x26e: {  	[tilespmem:s25+$0xFFFFFE00] =	vst v6  }
0x26f: {  	[tilespmem:s25+$0xFFFFFC80] =	vst v3  }
0x270: {  	v59 =	vld [tilespmem:$0x1FF80]  }
0x271: {  	v61 =	vld [tilespmem:$0x1FF70]  }
0x272: {  	v32 =	vld [tilespmem:$0x1FF30]  }
0x273: {  	v17 =	vld [tilespmem:$0x1FF40]  }
0x274: {  	v15 =	vld [tilespmem:$0x1FF50]  }
0x275: {  	v14 =	vld [tilespmem:$0x1FF60]  }
0x276: {  	s21 =	sadd.s32 $0x1, s21;
	v63 =	vld [tilespmem:$0x1FF90]  }
0x277: {  	p0 =	sne.s32 s21, $0x64;
	v21 =	vld [tilespmem:$0x1FFE0]  }
.Ltmp6:
0x278: {  	s22 =	sshll.u32 s22, $0x12;
	v20 =	vld [tilespmem:$0x1FFF0];
	(pc) =	sbr.rel @p0 .LBB2_4-.Ltmp6, $4  }
0x279: {  	s22 =	sor.u32 s6, s22;
	v57 =	vld [tilespmem:$0x1FFB0]  }
0x27a: {  	v22 =	vmov v60;
	s22 =	sshrl.u32 s22, $0x3;
	v60 =	vld [tilespmem:$0x1FFC0]  }
0x27b: {  	s22 =	sadd.s32 s2, s22;
	v19 =	vld [tilespmem:$0x1FFD0]  }
0x27c: {  	[hbm4b:s22+s13] =	stream.strided.scatter [tilespmem:s18], [sflag:$0x4], $0x2000, s14, s13, $0x38;
	v58 =	vld [tilespmem:$0x1FFA0]  }
0x27d: {  	s20 =	sadd.s32 $0x1, s20  }
0x27e: {  	_ =	swait.ge [sflag:s19], $0x2000;
	p0 =	sne.s32 s20, s7  }
.Ltmp7:
0x27f: {  	[sflag:s19] =	ssyncset.done $0x0;
	(pc) =	sbr.rel @p0 .LBB2_1-.Ltmp7, $4  }
0x280: {  	[sflag:s19] =	ssyncadd.s32 $0xFFFFE000  }
0x281: {  	_ =	swait.ge [sflag:s17], $0x2000  }
0x282: {  	v0 =	vmov v63;
	[sflag:s17] =	ssyncset.done $0x0  }
0x283: {  	v63 =	vmov v17;
	v62 =	vmov v32;
	v17 =	vmov v0;
	[sflag:s17] =	ssyncadd.s32 $0xFFFFE000  }
0x284: {  	_ =	sfence.sel $0x180000  }
0x285: {  	[bflag:$0x0] =	sbarrier.arrive $0xFFFF  }
0x286: {  	p0 =	sne.s32 s0, $0x0;
	_ =	strace $0x90000047  }
0x287: {  	s0 =	sadd.s32 @!p0 $0x100000, s1;
	[bflag:$0x2] =	sbarrier.arrive $0xFFFF  }
0x288: {  	[sflag:s0] =	ssyncadd.tile.s32 @!p0 $0x1;
	_ =	shalt  }
.Lfunc_end2:
_tile_overlayer_lowered:
.L_overlay_start_2:
0x289: {  	(tag) =	ssettag $0x2  }
0x28a: {  	s0 =	rddreg [dreg:$0x0];
	s2 =	stileid.u32  }
0x28b: {  	s1 =	rddreg [dreg:$0x1];
	p0 =	sne.s32 s2, $0x0  }
0x28c: {  	s3 =	rddreg [dreg:$0x2];
	[bflag:$0x3] =	sbarrier.arrive $0xFFFF;
	s2 =	simm.s32 @!p0 $0x1C05  }
0x28d: {  	[timem:s3], [sflag:s2] =	dma.local @!p0 [hbm:s0], s1  }
0x28e: {  	s0 =	simm.s32 @!p0 $0x5  }
0x28f: {  	_ =	swait.ge @!p0 [sflag:s0], s1  }
0x290: {  	s1 =	ssub.s32 @!p0 $0x0, s1;
	[sflag:s0] =	ssyncset.done @!p0 $0x0  }
0x291: {  	[sflag:s0] =	ssyncadd.s32 @!p0 s1  }
0x292: {  	[bflag:$0x3] =	sbarrier.arrive $0xFFFF  }
0x293: {  	_ =	shalt  }

</sc_bundles>
